<compile_context>
chip_gen: v7x
topology: tpu7x:2x2x1
jax: 0.10.2.dev20260603
libtpu: 0.0.44.dev20260713+nightly
codegen_flags: <defaults>
</compile_context>

<pallas_src>
import functools

import jax
import jax.numpy as jnp
from jax import lax
from jax.experimental import pallas as pl
from jax.experimental.pallas import tpu as pltpu
from jax.experimental.pallas import tpu_sc as plsc

N = 10000
E = 320000
D = 128
EPS = 1e-07

NPAD = 10112
RPT = NPAD // 16
EPT = 20480
CHB = 20
OUTER = 8
NCHT = OUTER * CHB
TRASH = N


def _prep_body(x_ref, p_ref, q_ref):
    m = jnp.maximum(x_ref[...], 0.0) + EPS
    p = jnp.exp(m)
    p_ref[...] = p
    q_ref[...] = m * p


def _sc_body(idx_hbm, p_hbm, q_hbm, z_hbm, out_hbm,
             iblk, gbuf, acc, gsem, isem):
    c = lax.axis_index("c")
    s = lax.axis_index("s")
    pltpu.sync_copy(z_hbm, acc.at[pl.ds(s * RPT, RPT)])
    plsc.subcore_barrier()

    for cval, tab in ((0, p_hbm), (1, q_hbm)):
        @pl.when(c == cval)
        def _():
            def idx_cp(o):
                return pltpu.make_async_copy(
                    idx_hbm.at[s, o], iblk.at[lax.rem(o, 2)],
                    isem.at[lax.rem(o, 2)])

            def gat_cp(j, jm):
                blk = lax.div(j, CHB)
                jr = lax.rem(j, CHB)
                return pltpu.make_async_copy(
                    tab.at[iblk.at[lax.rem(blk, 2), jr]],
                    gbuf.at[jm], gsem.at[jm])

            pltpu.sync_copy(idx_hbm.at[s, 0], iblk.at[0])
            idx_cp(1).start()
            gat_cp(0, 0).start()
            gat_cp(1, 1).start()

            def chunk(j, carry):
                jm = lax.rem(j, 2)
                blk = lax.div(j, CHB)
                jr = lax.rem(j, CHB)
                gat_cp(j, jm).wait()
                pltpu.sync_copy(
                    gbuf.at[jm],
                    acc.at[iblk.at[lax.rem(blk, 2), CHB + jr]], add=True)

                @pl.when((jr == CHB - 1) & (blk + 2 < OUTER))
                def _p():
                    idx_cp(blk + 2).start()
                @pl.when((jr == CHB - 2) & (blk + 1 < OUTER))
                def _w():
                    idx_cp(blk + 1).wait()

                @pl.when(j + 2 < NCHT)
                def _g():
                    gat_cp(j + 2, jm).start()
                return carry
            lax.fori_loop(0, NCHT, chunk, 0)

    plsc.subcore_barrier()
    for cval in (0, 1):
        @pl.when(c == cval)
        def _():
            pltpu.sync_copy(acc.at[pl.ds(s * RPT, RPT)],
                            out_hbm.at[cval, pl.ds(s * RPT, RPT)])


_sc_scatter = functools.partial(
    pl.kernel,
    out_type=jax.ShapeDtypeStruct((2, NPAD, D), jnp.float32),
    mesh=plsc.VectorSubcoreMesh(core_axis_name="c", subcore_axis_name="s"),
    scratch_types=[
        pltpu.VMEM((2, 2 * CHB, 128), jnp.int32),
        pltpu.VMEM((2, 128, D), jnp.float32),
        pltpu.VMEM_SHARED((NPAD, D), jnp.float32),
        pltpu.SemaphoreType.DMA((2,)),
        pltpu.SemaphoreType.DMA((2,)),
    ],
)(_sc_body)


def _final_body(x_ref, st_ref, w0, b0, w1, b1, w2, b2, wo, bo, out_ref):
    S = st_ref[0, :N, :]
    T = st_ref[1, :N, :]
    agg = jnp.where(S > 0.0, T, 0.0) / jnp.where(S > 0.0, S, 1.0)
    mean_agg = jnp.sum(agg, axis=0, keepdims=True) * (1.0 / N)
    mean_x = jnp.sum(x_ref[...], axis=0, keepdims=True) * (1.0 / N)
    w_sum = w0[...] + w1[...] + w2[...]
    b_sum = b0[...] + b1[...] + b2[...]
    hv = mean_x + jnp.dot(mean_x + mean_agg, w_sum,
                          preferred_element_type=jnp.float32) + b_sum
    out_ref[...] = jnp.dot(hv, wo[...],
                           preferred_element_type=jnp.float32) + bo[...]


def kernel(x, edge_index, W0, b0, W1, b1, W2, b2, W_out, b_out):
    src = edge_index[0]
    dst = edge_index[1]
    pad = jnp.full((16 * EPT - E,), TRASH, dtype=jnp.int32)
    src2 = jnp.concatenate([src, pad]).reshape(16, OUTER, CHB, 128)
    dst2 = jnp.concatenate([dst, pad]).reshape(16, OUTER, CHB, 128)
    idx = jnp.concatenate([src2, dst2], axis=2)
    xpad = jnp.pad(x, ((0, NPAD - N), (0, 0)))

    p_tab, q_tab = pl.pallas_call(
        _prep_body,
        out_shape=(jax.ShapeDtypeStruct((NPAD, D), jnp.float32),
                   jax.ShapeDtypeStruct((NPAD, D), jnp.float32)),
    )(xpad)

    zeros = jnp.zeros((RPT, D), dtype=jnp.float32)
    st = _sc_scatter(idx, p_tab, q_tab, zeros)

    out = pl.pallas_call(
        _final_body,
        out_shape=jax.ShapeDtypeStruct((1, 128), jnp.float32),
    )(x, st, W0, b0.reshape(1, D), W1, b1.reshape(1, D),
      W2, b2.reshape(1, D), W_out, b_out.reshape(1, 128))
    return out

# --- scband reference (transcript-rebuilt; emitter-appended) ---
"""Pipeline reference for scband-deeper-gcn-79697413144780 (READ-ONLY COPY).

The authoritative reference and input builder live on the scoring server;
editing this copy changes nothing except your own understanding.
"""

import jax, jax.numpy as jnp
import numpy as np

N = 10000
E = 320000
D = 128
OUT = 128
L = 3
EPS = 1e-07
BETA = 1.0


def setup_inputs(seed: int = 0) -> dict:
    key = jax.random.key(seed)
    ks = jax.random.split(key, 2 + 2 * L + 2)
    x = jax.random.normal(ks[0], (N, D), dtype=jnp.float32)
    edge_index = jax.random.randint(ks[1], (2, E), 0, N, dtype=jnp.int32)
    inp = {"x": x, "edge_index": edge_index}
    for l in range(L):
        inp[f"W{l}"] = jax.random.normal(ks[2 + 2 * l], (D, D), dtype=jnp.float32) * 0.05
        inp[f"b{l}"] = jnp.zeros((D,), dtype=jnp.float32)
    inp["W_out"] = jax.random.normal(ks[2 + 2 * L], (D, OUT), dtype=jnp.float32) * 0.05
    inp["b_out"] = jnp.zeros((OUT,), dtype=jnp.float32)
    return inp


def _gen_conv(feat, src, dst, W, b):
    # GENConv with softmax aggregator, mlp_layers=1 (single Linear).
    # Edge-level messages m_e = relu(h[src]) + eps; edge_softmax grouped by dst.
    m = jnp.maximum(feat[src], 0.0) + EPS            # [E, D]
    logits = m * BETA                                 # [E, D]
    mx = jax.ops.segment_max(logits, dst, num_segments=N)   # [N, D]
    ex = jnp.exp(logits - mx[dst])                    # [E, D]
    den = jax.ops.segment_sum(ex, dst, num_segments=N)      # [N, D]
    a = ex / den[dst]                                 # [E, D]
    agg = jax.ops.segment_sum(m * a, dst, num_segments=N)   # [N, D]
    feats = feat + agg
    return feats @ W + b


def reference(x, edge_index, W0, b0, W1, b1, W2, b2, W_out, b_out):
    src = edge_index[0]
    dst = edge_index[1]
    hv = x
    for (W, b) in ((W0, b0), (W1, b1), (W2, b2)):
        # NOTE: in the original code GENConv reads g.ndata['feat'] (the
        # original node features) every layer; the hv1 BN/relu/dropout branch
        # is dead code (its output is never consumed), so it is omitted.
        hv = _gen_conv(x, src, dst, W, b) + hv
    # AvgPooling over a single graph -> [1, D]
    h_g = jnp.mean(hv, axis=0, keepdims=True)
    return h_g @ W_out + b_out

if __name__ == "__main__":
    import jax
    _d = setup_inputs()
    print(jax.jit(kernel)(*tuple(_d.values())))

</pallas_src>

<mosaic_0001>
#map = affine_map<(d0, d1) -> (0, 0, 0, 0)>
#map1 = affine_map<(d0, d1) -> (0, 0)>
#map2 = affine_map<(d0, d1) -> (0, 0, 0)>
module attributes {stable_mosaic.version = 14 : i64} {
  func.func @_sc_body(%arg0: i32, %arg1: i32, %arg2: memref<16x8x40x128xi32, #tpu.memory_space<hbm>>, %arg3: memref<10112x128xf32, #tpu.memory_space<hbm>>, %arg4: memref<10112x128xf32, #tpu.memory_space<hbm>>, %arg5: memref<632x128xf32, #tpu.memory_space<hbm>>, %arg6: memref<2x10112x128xf32, #tpu.memory_space<hbm>>, %arg7: memref<2x40x128xi32, #tpu.memory_space<vmem>>, %arg8: memref<2x128x128xf32, #tpu.memory_space<vmem>>, %arg9: memref<10112x128xf32, #tpu.memory_space<vmem_shared>>, %arg10: memref<2x!tpu.dma_semaphore, #tpu.memory_space<semaphore_mem>>, %arg11: memref<2x!tpu.dma_semaphore, #tpu.memory_space<semaphore_mem>>) attributes {dimension_semantics = [#tpu.dimension_semantics<core_parallel>, #tpu.dimension_semantics<subcore_parallel>], iteration_bounds = array<i64: 2, 16>, scalar_prefetch = 0 : i64, scratch_operands = 5 : i64, tpu.core_type = #tpu.core_type<sc_vector_subcore>, window_params = [{transform_indices = #map}, {transform_indices = #map1}, {transform_indices = #map1}, {transform_indices = #map1}, {transform_indices = #map2}]} {
    %mul3A = arith.constant 632 : i32
    %mul3A_0 = arith.muli %arg1, %mul3A : i32
    "tpu.region"() ({
      %run_scoped3A = tpu.sem_alloc : memref<!tpu.dma_semaphore, #tpu.memory_space<semaphore_mem>>
      %dma_start3A = arith.constant 0 : i32
      %dma_start3A_19 = tpu.memref_slice %arg9[%mul3A_0, %dma_start3A] : memref<10112x128xf32, #tpu.memory_space<vmem_shared>> -> memref<632x128xf32, #tpu.memory_space<vmem_shared>>
      tpu.enqueue_dma source(%arg5 : memref<632x128xf32, #tpu.memory_space<hbm>>) target(%dma_start3A_19 : memref<632x128xf32, #tpu.memory_space<vmem_shared>>) target_semaphore(%run_scoped3A : memref<!tpu.dma_semaphore, #tpu.memory_space<semaphore_mem>>)
      %dma_wait3A = arith.constant 0 : i32
      %dma_wait3A_20 = tpu.memref_slice %arg9[%mul3A_0, %dma_wait3A] : memref<10112x128xf32, #tpu.memory_space<vmem_shared>> -> memref<632x128xf32, #tpu.memory_space<vmem_shared>>
      tpu.wait_dma2 semaphore(%run_scoped3A : memref<!tpu.dma_semaphore, #tpu.memory_space<semaphore_mem>>) src(%arg5 : memref<632x128xf32, #tpu.memory_space<hbm>>) dst(%dma_wait3A_20 : memref<632x128xf32, #tpu.memory_space<vmem_shared>>)
      tpu.yield
    }) : () -> ()
    %barrier3A = arith.constant 0 : index
    tpu.barrier barrier_id(%barrier3A)
    %eq3A = arith.constant 0 : i32
    %eq3A_1 = arith.cmpi eq, %arg0, %eq3A : i32
    %convert_element_type3A = arith.extui %eq3A_1 : i1 to i32
    %cond3A = arith.constant 0 : i32
    %cond3A_2 = arith.cmpi ne, %convert_element_type3A, %cond3A : i32
    scf.if %cond3A_2 {
      %run_scoped3A = arith.constant 0 : i32
      %run_scoped3A_19 = arith.constant 0 : i32
      "tpu.region"() ({
        %run_scoped3A_91 = tpu.sem_alloc : memref<!tpu.dma_semaphore, #tpu.memory_space<semaphore_mem>>
        %dma_start3A_92 = arith.constant 0 : i32
        %dma_start3A_93 = arith.constant 0 : i32
        %dma_start3A_94 = tpu.memref_slice %arg7[%run_scoped3A_19, %dma_start3A_92, %dma_start3A_93] : memref<2x40x128xi32, #tpu.memory_space<vmem>> -> memref<1x40x128xi32, #tpu.memory_space<vmem>>
        %dma_start3A_95 = tpu.memref_squeeze %dma_start3A_94 : memref<1x40x128xi32, #tpu.memory_space<vmem>> -> memref<40x128xi32, #tpu.memory_space<vmem>>
        %dma_start3A_96 = arith.constant 0 : i32
        %dma_start3A_97 = arith.constant 0 : i32
        %dma_start3A_98 = tpu.memref_slice %arg2[%arg1, %run_scoped3A, %dma_start3A_96, %dma_start3A_97] : memref<16x8x40x128xi32, #tpu.memory_space<hbm>> -> memref<1x1x40x128xi32, #tpu.memory_space<hbm>>
        %dma_start3A_99 = tpu.memref_squeeze %dma_start3A_98 : memref<1x1x40x128xi32, #tpu.memory_space<hbm>> -> memref<40x128xi32, #tpu.memory_space<hbm>>
        %dma_start3A_100 = arith.constant 0 : i32
        %dma_start3A_101 = arith.constant 0 : i32
        %dma_start3A_102 = tpu.memref_slice %arg7[%run_scoped3A_19, %dma_start3A_100, %dma_start3A_101] : memref<2x40x128xi32, #tpu.memory_space<vmem>> -> memref<1x40x128xi32, #tpu.memory_space<vmem>>
        %dma_start3A_103 = tpu.memref_squeeze %dma_start3A_102 : memref<1x40x128xi32, #tpu.memory_space<vmem>> -> memref<40x128xi32, #tpu.memory_space<vmem>>
        %dma_start3A_104 = arith.constant 0 : i32
        %dma_start3A_105 = arith.constant 0 : i32
        %dma_start3A_106 = tpu.memref_slice %arg2[%arg1, %run_scoped3A, %dma_start3A_104, %dma_start3A_105] : memref<16x8x40x128xi32, #tpu.memory_space<hbm>> -> memref<1x1x40x128xi32, #tpu.memory_space<hbm>>
        %dma_start3A_107 = tpu.memref_squeeze %dma_start3A_106 : memref<1x1x40x128xi32, #tpu.memory_space<hbm>> -> memref<40x128xi32, #tpu.memory_space<hbm>>
        tpu.enqueue_dma source(%dma_start3A_107 : memref<40x128xi32, #tpu.memory_space<hbm>>) target(%dma_start3A_103 : memref<40x128xi32, #tpu.memory_space<vmem>>) target_semaphore(%run_scoped3A_91 : memref<!tpu.dma_semaphore, #tpu.memory_space<semaphore_mem>>)
        %dma_wait3A = arith.constant 0 : i32
        %dma_wait3A_108 = arith.constant 0 : i32
        %dma_wait3A_109 = tpu.memref_slice %arg7[%run_scoped3A_19, %dma_wait3A, %dma_wait3A_108] : memref<2x40x128xi32, #tpu.memory_space<vmem>> -> memref<1x40x128xi32, #tpu.memory_space<vmem>>
        %dma_wait3A_110 = tpu.memref_squeeze %dma_wait3A_109 : memref<1x40x128xi32, #tpu.memory_space<vmem>> -> memref<40x128xi32, #tpu.memory_space<vmem>>
        %dma_wait3A_111 = arith.constant 0 : i32
        %dma_wait3A_112 = arith.constant 0 : i32
        %dma_wait3A_113 = tpu.memref_slice %arg2[%arg1, %run_scoped3A, %dma_wait3A_111, %dma_wait3A_112] : memref<16x8x40x128xi32, #tpu.memory_space<hbm>> -> memref<1x1x40x128xi32, #tpu.memory_space<hbm>>
        %dma_wait3A_114 = tpu.memref_squeeze %dma_wait3A_113 : memref<1x1x40x128xi32, #tpu.memory_space<hbm>> -> memref<40x128xi32, #tpu.memory_space<hbm>>
        %dma_wait3A_115 = arith.constant 0 : i32
        %dma_wait3A_116 = arith.constant 0 : i32
        %dma_wait3A_117 = tpu.memref_slice %arg7[%run_scoped3A_19, %dma_wait3A_115, %dma_wait3A_116] : memref<2x40x128xi32, #tpu.memory_space<vmem>> -> memref<1x40x128xi32, #tpu.memory_space<vmem>>
        %dma_wait3A_118 = tpu.memref_squeeze %dma_wait3A_117 : memref<1x40x128xi32, #tpu.memory_space<vmem>> -> memref<40x128xi32, #tpu.memory_space<vmem>>
        %dma_wait3A_119 = arith.constant 0 : i32
        %dma_wait3A_120 = arith.constant 0 : i32
        %dma_wait3A_121 = tpu.memref_slice %arg2[%arg1, %run_scoped3A, %dma_wait3A_119, %dma_wait3A_120] : memref<16x8x40x128xi32, #tpu.memory_space<hbm>> -> memref<1x1x40x128xi32, #tpu.memory_space<hbm>>
        %dma_wait3A_122 = tpu.memref_squeeze %dma_wait3A_121 : memref<1x1x40x128xi32, #tpu.memory_space<hbm>> -> memref<40x128xi32, #tpu.memory_space<hbm>>
        tpu.wait_dma2 semaphore(%run_scoped3A_91 : memref<!tpu.dma_semaphore, #tpu.memory_space<semaphore_mem>>) src(%dma_wait3A_122 : memref<40x128xi32, #tpu.memory_space<hbm>>) dst(%dma_wait3A_118 : memref<40x128xi32, #tpu.memory_space<vmem>>)
        tpu.yield
      }) : () -> ()
      %rem3A = arith.constant 1 : i32
      %rem3A_20 = arith.constant 2 : i32
      %rem3A_21 = arith.remsi %rem3A, %rem3A_20 : i32
      %rem3A_22 = arith.constant 1 : i32
      %rem3A_23 = arith.constant 2 : i32
      %rem3A_24 = arith.remsi %rem3A_22, %rem3A_23 : i32
      %dma_start3A = arith.constant 1 : i32
      %dma_start3A_25 = arith.constant 0 : i32
      %dma_start3A_26 = arith.constant 0 : i32
      %dma_start3A_27 = tpu.memref_slice %arg7[%rem3A_21, %dma_start3A_25, %dma_start3A_26] : memref<2x40x128xi32, #tpu.memory_space<vmem>> -> memref<1x40x128xi32, #tpu.memory_space<vmem>>
      %dma_start3A_28 = tpu.memref_squeeze %dma_start3A_27 : memref<1x40x128xi32, #tpu.memory_space<vmem>> -> memref<40x128xi32, #tpu.memory_space<vmem>>
      %dma_start3A_29 = arith.constant 0 : i32
      %dma_start3A_30 = arith.constant 0 : i32
      %dma_start3A_31 = tpu.memref_slice %arg2[%arg1, %dma_start3A, %dma_start3A_29, %dma_start3A_30] : memref<16x8x40x128xi32, #tpu.memory_space<hbm>> -> memref<1x1x40x128xi32, #tpu.memory_space<hbm>>
      %dma_start3A_32 = tpu.memref_squeeze %dma_start3A_31 : memref<1x1x40x128xi32, #tpu.memory_space<hbm>> -> memref<40x128xi32, #tpu.memory_space<hbm>>
      %dma_start3A_33 = tpu.memref_slice %arg11[%rem3A_24] : memref<2x!tpu.dma_semaphore, #tpu.memory_space<semaphore_mem>> -> memref<1x!tpu.dma_semaphore, #tpu.memory_space<semaphore_mem>>
      %dma_start3A_34 = tpu.memref_squeeze %dma_start3A_33 : memref<1x!tpu.dma_semaphore, #tpu.memory_space<semaphore_mem>> -> memref<!tpu.dma_semaphore, #tpu.memory_space<semaphore_mem>>
      %dma_start3A_35 = arith.constant 0 : i32
      %dma_start3A_36 = arith.constant 0 : i32
      %dma_start3A_37 = tpu.memref_slice %arg7[%rem3A_21, %dma_start3A_35, %dma_start3A_36] : memref<2x40x128xi32, #tpu.memory_space<vmem>> -> memref<1x40x128xi32, #tpu.memory_space<vmem>>
      %dma_start3A_38 = tpu.memref_squeeze %dma_start3A_37 : memref<1x40x128xi32, #tpu.memory_space<vmem>> -> memref<40x128xi32, #tpu.memory_space<vmem>>
      %dma_start3A_39 = arith.constant 0 : i32
      %dma_start3A_40 = arith.constant 0 : i32
      %dma_start3A_41 = tpu.memref_slice %arg2[%arg1, %dma_start3A, %dma_start3A_39, %dma_start3A_40] : memref<16x8x40x128xi32, #tpu.memory_space<hbm>> -> memref<1x1x40x128xi32, #tpu.memory_space<hbm>>
      %dma_start3A_42 = tpu.memref_squeeze %dma_start3A_41 : memref<1x1x40x128xi32, #tpu.memory_space<hbm>> -> memref<40x128xi32, #tpu.memory_space<hbm>>
      tpu.enqueue_dma source(%dma_start3A_42 : memref<40x128xi32, #tpu.memory_space<hbm>>) target(%dma_start3A_38 : memref<40x128xi32, #tpu.memory_space<vmem>>) target_semaphore(%dma_start3A_34 : memref<!tpu.dma_semaphore, #tpu.memory_space<semaphore_mem>>)
      %div3A = arith.constant 0 : i32
      %div3A_43 = arith.constant 20 : i32
      %div3A_44 = arith.divsi %div3A, %div3A_43 : i32
      %rem3A_45 = arith.constant 0 : i32
      %rem3A_46 = arith.constant 20 : i32
      %rem3A_47 = arith.remsi %rem3A_45, %rem3A_46 : i32
      %rem3A_48 = arith.constant 2 : i32
      %rem3A_49 = arith.remsi %div3A_44, %rem3A_48 : i32
      %dma_start3A_50 = arith.constant 0 : i32
      %dma_start3A_51 = arith.constant 0 : i32
      %dma_start3A_52 = arith.constant 0 : i32
      %dma_start3A_53 = arith.constant 0 : i32
      %dma_start3A_54 = tpu.memref_slice %arg8[%dma_start3A_50, %dma_start3A_52, %dma_start3A_53] : memref<2x128x128xf32, #tpu.memory_space<vmem>> -> memref<1x128x128xf32, #tpu.memory_space<vmem>>
      %dma_start3A_55 = tpu.memref_squeeze %dma_start3A_54 : memref<1x128x128xf32, #tpu.memory_space<vmem>> -> memref<128x128xf32, #tpu.memory_space<vmem>>
      %dma_start3A_56 = arith.constant 0 : i32
      %dma_start3A_57 = tpu.memref_slice %arg7[%rem3A_49, %rem3A_47, %dma_start3A_56] : memref<2x40x128xi32, #tpu.memory_space<vmem>> -> memref<1x1x128xi32, #tpu.memory_space<vmem>>
      %dma_start3A_58 = tpu.memref_squeeze %dma_start3A_57 : memref<1x1x128xi32, #tpu.memory_space<vmem>> -> memref<128xi32, #tpu.memory_space<vmem>>
      %dma_start3A_59 = arith.constant 0 : i32
      %dma_start3A_60 = arith.constant 0 : i32
      %dma_start3A_61 = tpu.memref_slice %arg3[%dma_start3A_59, %dma_start3A_60] : memref<10112x128xf32, #tpu.memory_space<hbm>> -> memref<10112x128xf32, #tpu.memory_space<hbm>>
      %dma_start3A_62 = tpu.memref_slice %arg10[%dma_start3A_51] : memref<2x!tpu.dma_semaphore, #tpu.memory_space<semaphore_mem>> -> memref<1x!tpu.dma_semaphore, #tpu.memory_space<semaphore_mem>>
      %dma_start3A_63 = tpu.memref_squeeze %dma_start3A_62 : memref<1x!tpu.dma_semaphore, #tpu.memory_space<semaphore_mem>> -> memref<!tpu.dma_semaphore, #tpu.memory_space<semaphore_mem>>
      tpu.enqueue_indirect_dma source(%dma_start3A_61 : memref<10112x128xf32, #tpu.memory_space<hbm>>) target(%dma_start3A_55 : memref<128x128xf32, #tpu.memory_space<vmem>>) offsets(%dma_start3A_58 : memref<128xi32, #tpu.memory_space<vmem>>) semaphore(%dma_start3A_63 : memref<!tpu.dma_semaphore, #tpu.memory_space<semaphore_mem>>)
      %div3A_64 = arith.constant 1 : i32
      %div3A_65 = arith.constant 20 : i32
      %div3A_66 = arith.divsi %div3A_64, %div3A_65 : i32
      %rem3A_67 = arith.constant 1 : i32
      %rem3A_68 = arith.constant 20 : i32
      %rem3A_69 = arith.remsi %rem3A_67, %rem3A_68 : i32
      %rem3A_70 = arith.constant 2 : i32
      %rem3A_71 = arith.remsi %div3A_66, %rem3A_70 : i32
      %dma_start3A_72 = arith.constant 1 : i32
      %dma_start3A_73 = arith.constant 1 : i32
      %dma_start3A_74 = arith.constant 0 : i32
      %dma_start3A_75 = arith.constant 0 : i32
      %dma_start3A_76 = tpu.memref_slice %arg8[%dma_start3A_72, %dma_start3A_74, %dma_start3A_75] : memref<2x128x128xf32, #tpu.memory_space<vmem>> -> memref<1x128x128xf32, #tpu.memory_space<vmem>>
      %dma_start3A_77 = tpu.memref_squeeze %dma_start3A_76 : memref<1x128x128xf32, #tpu.memory_space<vmem>> -> memref<128x128xf32, #tpu.memory_space<vmem>>
      %dma_start3A_78 = arith.constant 0 : i32
      %dma_start3A_79 = tpu.memref_slice %arg7[%rem3A_71, %rem3A_69, %dma_start3A_78] : memref<2x40x128xi32, #tpu.memory_space<vmem>> -> memref<1x1x128xi32, #tpu.memory_space<vmem>>
      %dma_start3A_80 = tpu.memref_squeeze %dma_start3A_79 : memref<1x1x128xi32, #tpu.memory_space<vmem>> -> memref<128xi32, #tpu.memory_space<vmem>>
      %dma_start3A_81 = arith.constant 0 : i32
      %dma_start3A_82 = arith.constant 0 : i32
      %dma_start3A_83 = tpu.memref_slice %arg3[%dma_start3A_81, %dma_start3A_82] : memref<10112x128xf32, #tpu.memory_space<hbm>> -> memref<10112x128xf32, #tpu.memory_space<hbm>>
      %dma_start3A_84 = tpu.memref_slice %arg10[%dma_start3A_73] : memref<2x!tpu.dma_semaphore, #tpu.memory_space<semaphore_mem>> -> memref<1x!tpu.dma_semaphore, #tpu.memory_space<semaphore_mem>>
      %dma_start3A_85 = tpu.memref_squeeze %dma_start3A_84 : memref<1x!tpu.dma_semaphore, #tpu.memory_space<semaphore_mem>> -> memref<!tpu.dma_semaphore, #tpu.memory_space<semaphore_mem>>
      tpu.enqueue_indirect_dma source(%dma_start3A_83 : memref<10112x128xf32, #tpu.memory_space<hbm>>) target(%dma_start3A_77 : memref<128x128xf32, #tpu.memory_space<vmem>>) offsets(%dma_start3A_80 : memref<128xi32, #tpu.memory_space<vmem>>) semaphore(%dma_start3A_85 : memref<!tpu.dma_semaphore, #tpu.memory_space<semaphore_mem>>)
      %scan3A = arith.constant 0 : i32
      %scan3A_86 = arith.constant 0 : i32
      %scan3A_87 = arith.constant 160 : i32
      %scan3A_88 = arith.addi %scan3A_86, %scan3A_87 : i32
      %scan3A_89 = arith.constant 1 : i32
      scf.for %scan3A_91 = %scan3A_86 to %scan3A_88 step %scan3A_89  : i32 {
        %rem3A_92 = arith.constant 2 : i32
        %rem3A_93 = arith.remsi %scan3A_91, %rem3A_92 : i32
        %div3A_94 = arith.constant 20 : i32
        %div3A_95 = arith.divsi %scan3A_91, %div3A_94 : i32
        %rem3A_96 = arith.constant 20 : i32
        %rem3A_97 = arith.remsi %scan3A_91, %rem3A_96 : i32
        %div3A_98 = arith.constant 20 : i32
        %div3A_99 = arith.divsi %scan3A_91, %div3A_98 : i32
        %rem3A_100 = arith.constant 20 : i32
        %rem3A_101 = arith.remsi %scan3A_91, %rem3A_100 : i32
        %rem3A_102 = arith.constant 2 : i32
        %rem3A_103 = arith.remsi %div3A_99, %rem3A_102 : i32
        %dma_wait3A = arith.constant 0 : i32
        %dma_wait3A_104 = arith.constant 0 : i32
        %dma_wait3A_105 = tpu.memref_slice %arg8[%rem3A_93, %dma_wait3A, %dma_wait3A_104] : memref<2x128x128xf32, #tpu.memory_space<vmem>> -> memref<1x128x128xf32, #tpu.memory_space<vmem>>
        %dma_wait3A_106 = tpu.memref_squeeze %dma_wait3A_105 : memref<1x128x128xf32, #tpu.memory_space<vmem>> -> memref<128x128xf32, #tpu.memory_space<vmem>>
        %dma_wait3A_107 = arith.constant 0 : i32
        %dma_wait3A_108 = tpu.memref_slice %arg7[%rem3A_103, %rem3A_101, %dma_wait3A_107] : memref<2x40x128xi32, #tpu.memory_space<vmem>> -> memref<1x1x128xi32, #tpu.memory_space<vmem>>
        %dma_wait3A_109 = tpu.memref_squeeze %dma_wait3A_108 : memref<1x1x128xi32, #tpu.memory_space<vmem>> -> memref<128xi32, #tpu.memory_space<vmem>>
        %dma_wait3A_110 = arith.constant 0 : i32
        %dma_wait3A_111 = arith.constant 0 : i32
        %dma_wait3A_112 = tpu.memref_slice %arg3[%dma_wait3A_110, %dma_wait3A_111] : memref<10112x128xf32, #tpu.memory_space<hbm>> -> memref<10112x128xf32, #tpu.memory_space<hbm>>
        %dma_wait3A_113 = tpu.memref_slice %arg10[%rem3A_93] : memref<2x!tpu.dma_semaphore, #tpu.memory_space<semaphore_mem>> -> memref<1x!tpu.dma_semaphore, #tpu.memory_space<semaphore_mem>>
        %dma_wait3A_114 = tpu.memref_squeeze %dma_wait3A_113 : memref<1x!tpu.dma_semaphore, #tpu.memory_space<semaphore_mem>> -> memref<!tpu.dma_semaphore, #tpu.memory_space<semaphore_mem>>
        tpu.wait_indirect_dma semaphore(%dma_wait3A_114 : memref<!tpu.dma_semaphore, #tpu.memory_space<semaphore_mem>>) src(%dma_wait3A_112 : memref<10112x128xf32, #tpu.memory_space<hbm>>) dst(%dma_wait3A_106 : memref<128x128xf32, #tpu.memory_space<vmem>>)
        %rem3A_115 = arith.constant 2 : i32
        %rem3A_116 = arith.remsi %div3A_95, %rem3A_115 : i32
        %add3A = arith.constant 20 : i32
        %add3A_117 = arith.addi %add3A, %rem3A_97 : i32
        "tpu.region"() ({
          %run_scoped3A_143 = tpu.sem_alloc : memref<!tpu.dma_semaphore, #tpu.memory_space<semaphore_mem>>
          %dma_start3A_144 = arith.constant 0 : i32
          %dma_start3A_145 = arith.constant 0 : i32
          %dma_start3A_146 = tpu.memref_slice %arg8[%rem3A_93, %dma_start3A_144, %dma_start3A_145] : memref<2x128x128xf32, #tpu.memory_space<vmem>> -> memref<1x128x128xf32, #tpu.memory_space<vmem>>
          %dma_start3A_147 = tpu.memref_squeeze %dma_start3A_146 : memref<1x128x128xf32, #tpu.memory_space<vmem>> -> memref<128x128xf32, #tpu.memory_space<vmem>>
          %dma_start3A_148 = arith.constant 0 : i32
          %dma_start3A_149 = tpu.memref_slice %arg7[%rem3A_116, %add3A_117, %dma_start3A_148] : memref<2x40x128xi32, #tpu.memory_space<vmem>> -> memref<1x1x128xi32, #tpu.memory_space<vmem>>
          %dma_start3A_150 = tpu.memref_squeeze %dma_start3A_149 : memref<1x1x128xi32, #tpu.memory_space<vmem>> -> memref<128xi32, #tpu.memory_space<vmem>>
          %dma_start3A_151 = arith.constant 0 : i32
          %dma_start3A_152 = arith.constant 0 : i32
          %dma_start3A_153 = tpu.memref_slice %arg9[%dma_start3A_151, %dma_start3A_152] : memref<10112x128xf32, #tpu.memory_space<vmem_shared>> -> memref<10112x128xf32, #tpu.memory_space<vmem_shared>>
          tpu.enqueue_indirect_dma source(%dma_start3A_147 : memref<128x128xf32, #tpu.memory_space<vmem>>) target(%dma_start3A_153 : memref<10112x128xf32, #tpu.memory_space<vmem_shared>>) offsets(%dma_start3A_150 : memref<128xi32, #tpu.memory_space<vmem>>) semaphore(%run_scoped3A_143 : memref<!tpu.dma_semaphore, #tpu.memory_space<semaphore_mem>>) {add = true}
          %dma_wait3A_154 = arith.constant 0 : i32
          %dma_wait3A_155 = arith.constant 0 : i32
          %dma_wait3A_156 = tpu.memref_slice %arg8[%rem3A_93, %dma_wait3A_154, %dma_wait3A_155] : memref<2x128x128xf32, #tpu.memory_space<vmem>> -> memref<1x128x128xf32, #tpu.memory_space<vmem>>
          %dma_wait3A_157 = tpu.memref_squeeze %dma_wait3A_156 : memref<1x128x128xf32, #tpu.memory_space<vmem>> -> memref<128x128xf32, #tpu.memory_space<vmem>>
          %dma_wait3A_158 = arith.constant 0 : i32
          %dma_wait3A_159 = tpu.memref_slice %arg7[%rem3A_116, %add3A_117, %dma_wait3A_158] : memref<2x40x128xi32, #tpu.memory_space<vmem>> -> memref<1x1x128xi32, #tpu.memory_space<vmem>>
          %dma_wait3A_160 = tpu.memref_squeeze %dma_wait3A_159 : memref<1x1x128xi32, #tpu.memory_space<vmem>> -> memref<128xi32, #tpu.memory_space<vmem>>
          %dma_wait3A_161 = arith.constant 0 : i32
          %dma_wait3A_162 = arith.constant 0 : i32
          %dma_wait3A_163 = tpu.memref_slice %arg9[%dma_wait3A_161, %dma_wait3A_162] : memref<10112x128xf32, #tpu.memory_space<vmem_shared>> -> memref<10112x128xf32, #tpu.memory_space<vmem_shared>>
          tpu.wait_indirect_dma semaphore(%run_scoped3A_143 : memref<!tpu.dma_semaphore, #tpu.memory_space<semaphore_mem>>) src(%dma_wait3A_157 : memref<128x128xf32, #tpu.memory_space<vmem>>) dst(%dma_wait3A_163 : memref<10112x128xf32, #tpu.memory_space<vmem_shared>>)
          tpu.yield
        }) : () -> ()
        %eq3A_118 = arith.constant 19 : i32
        %eq3A_119 = arith.cmpi eq, %rem3A_97, %eq3A_118 : i32
        %add3A_120 = arith.constant 2 : i32
        %add3A_121 = arith.addi %div3A_95, %add3A_120 : i32
        %lt3A = arith.constant 8 : i32
        %lt3A_122 = arith.cmpi slt, %add3A_121, %lt3A : i32
        %and3A = arith.andi %eq3A_119, %lt3A_122 : i1
        %convert_element_type3A_123 = arith.extui %and3A : i1 to i32
        %cond3A_124 = arith.constant 0 : i32
        %cond3A_125 = arith.cmpi ne, %convert_element_type3A_123, %cond3A_124 : i32
        scf.if %cond3A_125 {
          %add3A_143 = arith.constant 2 : i32
          %add3A_144 = arith.addi %div3A_95, %add3A_143 : i32
          %rem3A_145 = arith.constant 2 : i32
          %rem3A_146 = arith.remsi %add3A_144, %rem3A_145 : i32
          %rem3A_147 = arith.constant 2 : i32
          %rem3A_148 = arith.remsi %add3A_144, %rem3A_147 : i32
          %dma_start3A_149 = arith.constant 0 : i32
          %dma_start3A_150 = arith.constant 0 : i32
          %dma_start3A_151 = tpu.memref_slice %arg7[%rem3A_146, %dma_start3A_149, %dma_start3A_150] : memref<2x40x128xi32, #tpu.memory_space<vmem>> -> memref<1x40x128xi32, #tpu.memory_space<vmem>>
          %dma_start3A_152 = tpu.memref_squeeze %dma_start3A_151 : memref<1x40x128xi32, #tpu.memory_space<vmem>> -> memref<40x128xi32, #tpu.memory_space<vmem>>
          %dma_start3A_153 = arith.constant 0 : i32
          %dma_start3A_154 = arith.constant 0 : i32
          %dma_start3A_155 = tpu.memref_slice %arg2[%arg1, %add3A_144, %dma_start3A_153, %dma_start3A_154] : memref<16x8x40x128xi32, #tpu.memory_space<hbm>> -> memref<1x1x40x128xi32, #tpu.memory_space<hbm>>
          %dma_start3A_156 = tpu.memref_squeeze %dma_start3A_155 : memref<1x1x40x128xi32, #tpu.memory_space<hbm>> -> memref<40x128xi32, #tpu.memory_space<hbm>>
          %dma_start3A_157 = tpu.memref_slice %arg11[%rem3A_148] : memref<2x!tpu.dma_semaphore, #tpu.memory_space<semaphore_mem>> -> memref<1x!tpu.dma_semaphore, #tpu.memory_space<semaphore_mem>>
          %dma_start3A_158 = tpu.memref_squeeze %dma_start3A_157 : memref<1x!tpu.dma_semaphore, #tpu.memory_space<semaphore_mem>> -> memref<!tpu.dma_semaphore, #tpu.memory_space<semaphore_mem>>
          %dma_start3A_159 = arith.constant 0 : i32
          %dma_start3A_160 = arith.constant 0 : i32
          %dma_start3A_161 = tpu.memref_slice %arg7[%rem3A_146, %dma_start3A_159, %dma_start3A_160] : memref<2x40x128xi32, #tpu.memory_space<vmem>> -> memref<1x40x128xi32, #tpu.memory_space<vmem>>
          %dma_start3A_162 = tpu.memref_squeeze %dma_start3A_161 : memref<1x40x128xi32, #tpu.memory_space<vmem>> -> memref<40x128xi32, #tpu.memory_space<vmem>>
          %dma_start3A_163 = arith.constant 0 : i32
          %dma_start3A_164 = arith.constant 0 : i32
          %dma_start3A_165 = tpu.memref_slice %arg2[%arg1, %add3A_144, %dma_start3A_163, %dma_start3A_164] : memref<16x8x40x128xi32, #tpu.memory_space<hbm>> -> memref<1x1x40x128xi32, #tpu.memory_space<hbm>>
          %dma_start3A_166 = tpu.memref_squeeze %dma_start3A_165 : memref<1x1x40x128xi32, #tpu.memory_space<hbm>> -> memref<40x128xi32, #tpu.memory_space<hbm>>
          tpu.enqueue_dma source(%dma_start3A_166 : memref<40x128xi32, #tpu.memory_space<hbm>>) target(%dma_start3A_162 : memref<40x128xi32, #tpu.memory_space<vmem>>) target_semaphore(%dma_start3A_158 : memref<!tpu.dma_semaphore, #tpu.memory_space<semaphore_mem>>)
        } else {
        }
        %eq3A_126 = arith.constant 18 : i32
        %eq3A_127 = arith.cmpi eq, %rem3A_97, %eq3A_126 : i32
        %add3A_128 = arith.constant 1 : i32
        %add3A_129 = arith.addi %div3A_95, %add3A_128 : i32
        %lt3A_130 = arith.constant 8 : i32
        %lt3A_131 = arith.cmpi slt, %add3A_129, %lt3A_130 : i32
        %and3A_132 = arith.andi %eq3A_127, %lt3A_131 : i1
        %convert_element_type3A_133 = arith.extui %and3A_132 : i1 to i32
        %cond3A_134 = arith.constant 0 : i32
        %cond3A_135 = arith.cmpi ne, %convert_element_type3A_133, %cond3A_134 : i32
        scf.if %cond3A_135 {
          %add3A_143 = arith.constant 1 : i32
          %add3A_144 = arith.addi %div3A_95, %add3A_143 : i32
          %rem3A_145 = arith.constant 2 : i32
          %rem3A_146 = arith.remsi %add3A_144, %rem3A_145 : i32
          %rem3A_147 = arith.constant 2 : i32
          %rem3A_148 = arith.remsi %add3A_144, %rem3A_147 : i32
          %dma_wait3A_149 = arith.constant 0 : i32
          %dma_wait3A_150 = arith.constant 0 : i32
          %dma_wait3A_151 = tpu.memref_slice %arg7[%rem3A_146, %dma_wait3A_149, %dma_wait3A_150] : memref<2x40x128xi32, #tpu.memory_space<vmem>> -> memref<1x40x128xi32, #tpu.memory_space<vmem>>
          %dma_wait3A_152 = tpu.memref_squeeze %dma_wait3A_151 : memref<1x40x128xi32, #tpu.memory_space<vmem>> -> memref<40x128xi32, #tpu.memory_space<vmem>>
          %dma_wait3A_153 = arith.constant 0 : i32
          %dma_wait3A_154 = arith.constant 0 : i32
          %dma_wait3A_155 = tpu.memref_slice %arg2[%arg1, %add3A_144, %dma_wait3A_153, %dma_wait3A_154] : memref<16x8x40x128xi32, #tpu.memory_space<hbm>> -> memref<1x1x40x128xi32, #tpu.memory_space<hbm>>
          %dma_wait3A_156 = tpu.memref_squeeze %dma_wait3A_155 : memref<1x1x40x128xi32, #tpu.memory_space<hbm>> -> memref<40x128xi32, #tpu.memory_space<hbm>>
          %dma_wait3A_157 = tpu.memref_slice %arg11[%rem3A_148] : memref<2x!tpu.dma_semaphore, #tpu.memory_space<semaphore_mem>> -> memref<1x!tpu.dma_semaphore, #tpu.memory_space<semaphore_mem>>
          %dma_wait3A_158 = tpu.memref_squeeze %dma_wait3A_157 : memref<1x!tpu.dma_semaphore, #tpu.memory_space<semaphore_mem>> -> memref<!tpu.dma_semaphore, #tpu.memory_space<semaphore_mem>>
          %dma_wait3A_159 = arith.constant 0 : i32
          %dma_wait3A_160 = arith.constant 0 : i32
          %dma_wait3A_161 = tpu.memref_slice %arg7[%rem3A_146, %dma_wait3A_159, %dma_wait3A_160] : memref<2x40x128xi32, #tpu.memory_space<vmem>> -> memref<1x40x128xi32, #tpu.memory_space<vmem>>
          %dma_wait3A_162 = tpu.memref_squeeze %dma_wait3A_161 : memref<1x40x128xi32, #tpu.memory_space<vmem>> -> memref<40x128xi32, #tpu.memory_space<vmem>>
          %dma_wait3A_163 = arith.constant 0 : i32
          %dma_wait3A_164 = arith.constant 0 : i32
          %dma_wait3A_165 = tpu.memref_slice %arg2[%arg1, %add3A_144, %dma_wait3A_163, %dma_wait3A_164] : memref<16x8x40x128xi32, #tpu.memory_space<hbm>> -> memref<1x1x40x128xi32, #tpu.memory_space<hbm>>
          %dma_wait3A_166 = tpu.memref_squeeze %dma_wait3A_165 : memref<1x1x40x128xi32, #tpu.memory_space<hbm>> -> memref<40x128xi32, #tpu.memory_space<hbm>>
          tpu.wait_dma2 semaphore(%dma_wait3A_158 : memref<!tpu.dma_semaphore, #tpu.memory_space<semaphore_mem>>) src(%dma_wait3A_166 : memref<40x128xi32, #tpu.memory_space<hbm>>) dst(%dma_wait3A_162 : memref<40x128xi32, #tpu.memory_space<vmem>>)
        } else {
        }
        %add3A_136 = arith.constant 2 : i32
        %add3A_137 = arith.addi %scan3A_91, %add3A_136 : i32
        %lt3A_138 = arith.constant 160 : i32
        %lt3A_139 = arith.cmpi slt, %add3A_137, %lt3A_138 : i32
        %convert_element_type3A_140 = arith.extui %lt3A_139 : i1 to i32
        %cond3A_141 = arith.constant 0 : i32
        %cond3A_142 = arith.cmpi ne, %convert_element_type3A_140, %cond3A_141 : i32
        scf.if %cond3A_142 {
          %add3A_143 = arith.constant 2 : i32
          %add3A_144 = arith.addi %scan3A_91, %add3A_143 : i32
          %div3A_145 = arith.constant 20 : i32
          %div3A_146 = arith.divsi %add3A_144, %div3A_145 : i32
          %rem3A_147 = arith.constant 20 : i32
          %rem3A_148 = arith.remsi %add3A_144, %rem3A_147 : i32
          %rem3A_149 = arith.constant 2 : i32
          %rem3A_150 = arith.remsi %div3A_146, %rem3A_149 : i32
          %dma_start3A_151 = arith.constant 0 : i32
          %dma_start3A_152 = arith.constant 0 : i32
          %dma_start3A_153 = tpu.memref_slice %arg8[%rem3A_93, %dma_start3A_151, %dma_start3A_152] : memref<2x128x128xf32, #tpu.memory_space<vmem>> -> memref<1x128x128xf32, #tpu.memory_space<vmem>>
          %dma_start3A_154 = tpu.memref_squeeze %dma_start3A_153 : memref<1x128x128xf32, #tpu.memory_space<vmem>> -> memref<128x128xf32, #tpu.memory_space<vmem>>
          %dma_start3A_155 = arith.constant 0 : i32
          %dma_start3A_156 = tpu.memref_slice %arg7[%rem3A_150, %rem3A_148, %dma_start3A_155] : memref<2x40x128xi32, #tpu.memory_space<vmem>> -> memref<1x1x128xi32, #tpu.memory_space<vmem>>
          %dma_start3A_157 = tpu.memref_squeeze %dma_start3A_156 : memref<1x1x128xi32, #tpu.memory_space<vmem>> -> memref<128xi32, #tpu.memory_space<vmem>>
          %dma_start3A_158 = arith.constant 0 : i32
          %dma_start3A_159 = arith.constant 0 : i32
          %dma_start3A_160 = tpu.memref_slice %arg3[%dma_start3A_158, %dma_start3A_159] : memref<10112x128xf32, #tpu.memory_space<hbm>> -> memref<10112x128xf32, #tpu.memory_space<hbm>>
          %dma_start3A_161 = tpu.memref_slice %arg10[%rem3A_93] : memref<2x!tpu.dma_semaphore, #tpu.memory_space<semaphore_mem>> -> memref<1x!tpu.dma_semaphore, #tpu.memory_space<semaphore_mem>>
          %dma_start3A_162 = tpu.memref_squeeze %dma_start3A_161 : memref<1x!tpu.dma_semaphore, #tpu.memory_space<semaphore_mem>> -> memref<!tpu.dma_semaphore, #tpu.memory_space<semaphore_mem>>
          tpu.enqueue_indirect_dma source(%dma_start3A_160 : memref<10112x128xf32, #tpu.memory_space<hbm>>) target(%dma_start3A_154 : memref<128x128xf32, #tpu.memory_space<vmem>>) offsets(%dma_start3A_157 : memref<128xi32, #tpu.memory_space<vmem>>) semaphore(%dma_start3A_162 : memref<!tpu.dma_semaphore, #tpu.memory_space<semaphore_mem>>)
        } else {
        }
      }
      %scan3A_90 = arith.constant 160 : i32
    } else {
    }
    %eq3A_3 = arith.constant 1 : i32
    %eq3A_4 = arith.cmpi eq, %arg0, %eq3A_3 : i32
    %convert_element_type3A_5 = arith.extui %eq3A_4 : i1 to i32
    %cond3A_6 = arith.constant 0 : i32
    %cond3A_7 = arith.cmpi ne, %convert_element_type3A_5, %cond3A_6 : i32
    scf.if %cond3A_7 {
      %run_scoped3A = arith.constant 0 : i32
      %run_scoped3A_19 = arith.constant 0 : i32
      "tpu.region"() ({
        %run_scoped3A_91 = tpu.sem_alloc : memref<!tpu.dma_semaphore, #tpu.memory_space<semaphore_mem>>
        %dma_start3A_92 = arith.constant 0 : i32
        %dma_start3A_93 = arith.constant 0 : i32
        %dma_start3A_94 = tpu.memref_slice %arg7[%run_scoped3A_19, %dma_start3A_92, %dma_start3A_93] : memref<2x40x128xi32, #tpu.memory_space<vmem>> -> memref<1x40x128xi32, #tpu.memory_space<vmem>>
        %dma_start3A_95 = tpu.memref_squeeze %dma_start3A_94 : memref<1x40x128xi32, #tpu.memory_space<vmem>> -> memref<40x128xi32, #tpu.memory_space<vmem>>
        %dma_start3A_96 = arith.constant 0 : i32
        %dma_start3A_97 = arith.constant 0 : i32
        %dma_start3A_98 = tpu.memref_slice %arg2[%arg1, %run_scoped3A, %dma_start3A_96, %dma_start3A_97] : memref<16x8x40x128xi32, #tpu.memory_space<hbm>> -> memref<1x1x40x128xi32, #tpu.memory_space<hbm>>
        %dma_start3A_99 = tpu.memref_squeeze %dma_start3A_98 : memref<1x1x40x128xi32, #tpu.memory_space<hbm>> -> memref<40x128xi32, #tpu.memory_space<hbm>>
        %dma_start3A_100 = arith.constant 0 : i32
        %dma_start3A_101 = arith.constant 0 : i32
        %dma_start3A_102 = tpu.memref_slice %arg7[%run_scoped3A_19, %dma_start3A_100, %dma_start3A_101] : memref<2x40x128xi32, #tpu.memory_space<vmem>> -> memref<1x40x128xi32, #tpu.memory_space<vmem>>
        %dma_start3A_103 = tpu.memref_squeeze %dma_start3A_102 : memref<1x40x128xi32, #tpu.memory_space<vmem>> -> memref<40x128xi32, #tpu.memory_space<vmem>>
        %dma_start3A_104 = arith.constant 0 : i32
        %dma_start3A_105 = arith.constant 0 : i32
        %dma_start3A_106 = tpu.memref_slice %arg2[%arg1, %run_scoped3A, %dma_start3A_104, %dma_start3A_105] : memref<16x8x40x128xi32, #tpu.memory_space<hbm>> -> memref<1x1x40x128xi32, #tpu.memory_space<hbm>>
        %dma_start3A_107 = tpu.memref_squeeze %dma_start3A_106 : memref<1x1x40x128xi32, #tpu.memory_space<hbm>> -> memref<40x128xi32, #tpu.memory_space<hbm>>
        tpu.enqueue_dma source(%dma_start3A_107 : memref<40x128xi32, #tpu.memory_space<hbm>>) target(%dma_start3A_103 : memref<40x128xi32, #tpu.memory_space<vmem>>) target_semaphore(%run_scoped3A_91 : memref<!tpu.dma_semaphore, #tpu.memory_space<semaphore_mem>>)
        %dma_wait3A = arith.constant 0 : i32
        %dma_wait3A_108 = arith.constant 0 : i32
        %dma_wait3A_109 = tpu.memref_slice %arg7[%run_scoped3A_19, %dma_wait3A, %dma_wait3A_108] : memref<2x40x128xi32, #tpu.memory_space<vmem>> -> memref<1x40x128xi32, #tpu.memory_space<vmem>>
        %dma_wait3A_110 = tpu.memref_squeeze %dma_wait3A_109 : memref<1x40x128xi32, #tpu.memory_space<vmem>> -> memref<40x128xi32, #tpu.memory_space<vmem>>
        %dma_wait3A_111 = arith.constant 0 : i32
        %dma_wait3A_112 = arith.constant 0 : i32
        %dma_wait3A_113 = tpu.memref_slice %arg2[%arg1, %run_scoped3A, %dma_wait3A_111, %dma_wait3A_112] : memref<16x8x40x128xi32, #tpu.memory_space<hbm>> -> memref<1x1x40x128xi32, #tpu.memory_space<hbm>>
        %dma_wait3A_114 = tpu.memref_squeeze %dma_wait3A_113 : memref<1x1x40x128xi32, #tpu.memory_space<hbm>> -> memref<40x128xi32, #tpu.memory_space<hbm>>
        %dma_wait3A_115 = arith.constant 0 : i32
        %dma_wait3A_116 = arith.constant 0 : i32
        %dma_wait3A_117 = tpu.memref_slice %arg7[%run_scoped3A_19, %dma_wait3A_115, %dma_wait3A_116] : memref<2x40x128xi32, #tpu.memory_space<vmem>> -> memref<1x40x128xi32, #tpu.memory_space<vmem>>
        %dma_wait3A_118 = tpu.memref_squeeze %dma_wait3A_117 : memref<1x40x128xi32, #tpu.memory_space<vmem>> -> memref<40x128xi32, #tpu.memory_space<vmem>>
        %dma_wait3A_119 = arith.constant 0 : i32
        %dma_wait3A_120 = arith.constant 0 : i32
        %dma_wait3A_121 = tpu.memref_slice %arg2[%arg1, %run_scoped3A, %dma_wait3A_119, %dma_wait3A_120] : memref<16x8x40x128xi32, #tpu.memory_space<hbm>> -> memref<1x1x40x128xi32, #tpu.memory_space<hbm>>
        %dma_wait3A_122 = tpu.memref_squeeze %dma_wait3A_121 : memref<1x1x40x128xi32, #tpu.memory_space<hbm>> -> memref<40x128xi32, #tpu.memory_space<hbm>>
        tpu.wait_dma2 semaphore(%run_scoped3A_91 : memref<!tpu.dma_semaphore, #tpu.memory_space<semaphore_mem>>) src(%dma_wait3A_122 : memref<40x128xi32, #tpu.memory_space<hbm>>) dst(%dma_wait3A_118 : memref<40x128xi32, #tpu.memory_space<vmem>>)
        tpu.yield
      }) : () -> ()
      %rem3A = arith.constant 1 : i32
      %rem3A_20 = arith.constant 2 : i32
      %rem3A_21 = arith.remsi %rem3A, %rem3A_20 : i32
      %rem3A_22 = arith.constant 1 : i32
      %rem3A_23 = arith.constant 2 : i32
      %rem3A_24 = arith.remsi %rem3A_22, %rem3A_23 : i32
      %dma_start3A = arith.constant 1 : i32
      %dma_start3A_25 = arith.constant 0 : i32
      %dma_start3A_26 = arith.constant 0 : i32
      %dma_start3A_27 = tpu.memref_slice %arg7[%rem3A_21, %dma_start3A_25, %dma_start3A_26] : memref<2x40x128xi32, #tpu.memory_space<vmem>> -> memref<1x40x128xi32, #tpu.memory_space<vmem>>
      %dma_start3A_28 = tpu.memref_squeeze %dma_start3A_27 : memref<1x40x128xi32, #tpu.memory_space<vmem>> -> memref<40x128xi32, #tpu.memory_space<vmem>>
      %dma_start3A_29 = arith.constant 0 : i32
      %dma_start3A_30 = arith.constant 0 : i32
      %dma_start3A_31 = tpu.memref_slice %arg2[%arg1, %dma_start3A, %dma_start3A_29, %dma_start3A_30] : memref<16x8x40x128xi32, #tpu.memory_space<hbm>> -> memref<1x1x40x128xi32, #tpu.memory_space<hbm>>
      %dma_start3A_32 = tpu.memref_squeeze %dma_start3A_31 : memref<1x1x40x128xi32, #tpu.memory_space<hbm>> -> memref<40x128xi32, #tpu.memory_space<hbm>>
      %dma_start3A_33 = tpu.memref_slice %arg11[%rem3A_24] : memref<2x!tpu.dma_semaphore, #tpu.memory_space<semaphore_mem>> -> memref<1x!tpu.dma_semaphore, #tpu.memory_space<semaphore_mem>>
      %dma_start3A_34 = tpu.memref_squeeze %dma_start3A_33 : memref<1x!tpu.dma_semaphore, #tpu.memory_space<semaphore_mem>> -> memref<!tpu.dma_semaphore, #tpu.memory_space<semaphore_mem>>
      %dma_start3A_35 = arith.constant 0 : i32
      %dma_start3A_36 = arith.constant 0 : i32
      %dma_start3A_37 = tpu.memref_slice %arg7[%rem3A_21, %dma_start3A_35, %dma_start3A_36] : memref<2x40x128xi32, #tpu.memory_space<vmem>> -> memref<1x40x128xi32, #tpu.memory_space<vmem>>
      %dma_start3A_38 = tpu.memref_squeeze %dma_start3A_37 : memref<1x40x128xi32, #tpu.memory_space<vmem>> -> memref<40x128xi32, #tpu.memory_space<vmem>>
      %dma_start3A_39 = arith.constant 0 : i32
      %dma_start3A_40 = arith.constant 0 : i32
      %dma_start3A_41 = tpu.memref_slice %arg2[%arg1, %dma_start3A, %dma_start3A_39, %dma_start3A_40] : memref<16x8x40x128xi32, #tpu.memory_space<hbm>> -> memref<1x1x40x128xi32, #tpu.memory_space<hbm>>
      %dma_start3A_42 = tpu.memref_squeeze %dma_start3A_41 : memref<1x1x40x128xi32, #tpu.memory_space<hbm>> -> memref<40x128xi32, #tpu.memory_space<hbm>>
      tpu.enqueue_dma source(%dma_start3A_42 : memref<40x128xi32, #tpu.memory_space<hbm>>) target(%dma_start3A_38 : memref<40x128xi32, #tpu.memory_space<vmem>>) target_semaphore(%dma_start3A_34 : memref<!tpu.dma_semaphore, #tpu.memory_space<semaphore_mem>>)
      %div3A = arith.constant 0 : i32
      %div3A_43 = arith.constant 20 : i32
      %div3A_44 = arith.divsi %div3A, %div3A_43 : i32
      %rem3A_45 = arith.constant 0 : i32
      %rem3A_46 = arith.constant 20 : i32
      %rem3A_47 = arith.remsi %rem3A_45, %rem3A_46 : i32
      %rem3A_48 = arith.constant 2 : i32
      %rem3A_49 = arith.remsi %div3A_44, %rem3A_48 : i32
      %dma_start3A_50 = arith.constant 0 : i32
      %dma_start3A_51 = arith.constant 0 : i32
      %dma_start3A_52 = arith.constant 0 : i32
      %dma_start3A_53 = arith.constant 0 : i32
      %dma_start3A_54 = tpu.memref_slice %arg8[%dma_start3A_50, %dma_start3A_52, %dma_start3A_53] : memref<2x128x128xf32, #tpu.memory_space<vmem>> -> memref<1x128x128xf32, #tpu.memory_space<vmem>>
      %dma_start3A_55 = tpu.memref_squeeze %dma_start3A_54 : memref<1x128x128xf32, #tpu.memory_space<vmem>> -> memref<128x128xf32, #tpu.memory_space<vmem>>
      %dma_start3A_56 = arith.constant 0 : i32
      %dma_start3A_57 = tpu.memref_slice %arg7[%rem3A_49, %rem3A_47, %dma_start3A_56] : memref<2x40x128xi32, #tpu.memory_space<vmem>> -> memref<1x1x128xi32, #tpu.memory_space<vmem>>
      %dma_start3A_58 = tpu.memref_squeeze %dma_start3A_57 : memref<1x1x128xi32, #tpu.memory_space<vmem>> -> memref<128xi32, #tpu.memory_space<vmem>>
      %dma_start3A_59 = arith.constant 0 : i32
      %dma_start3A_60 = arith.constant 0 : i32
      %dma_start3A_61 = tpu.memref_slice %arg4[%dma_start3A_59, %dma_start3A_60] : memref<10112x128xf32, #tpu.memory_space<hbm>> -> memref<10112x128xf32, #tpu.memory_space<hbm>>
      %dma_start3A_62 = tpu.memref_slice %arg10[%dma_start3A_51] : memref<2x!tpu.dma_semaphore, #tpu.memory_space<semaphore_mem>> -> memref<1x!tpu.dma_semaphore, #tpu.memory_space<semaphore_mem>>
      %dma_start3A_63 = tpu.memref_squeeze %dma_start3A_62 : memref<1x!tpu.dma_semaphore, #tpu.memory_space<semaphore_mem>> -> memref<!tpu.dma_semaphore, #tpu.memory_space<semaphore_mem>>
      tpu.enqueue_indirect_dma source(%dma_start3A_61 : memref<10112x128xf32, #tpu.memory_space<hbm>>) target(%dma_start3A_55 : memref<128x128xf32, #tpu.memory_space<vmem>>) offsets(%dma_start3A_58 : memref<128xi32, #tpu.memory_space<vmem>>) semaphore(%dma_start3A_63 : memref<!tpu.dma_semaphore, #tpu.memory_space<semaphore_mem>>)
      %div3A_64 = arith.constant 1 : i32
      %div3A_65 = arith.constant 20 : i32
      %div3A_66 = arith.divsi %div3A_64, %div3A_65 : i32
      %rem3A_67 = arith.constant 1 : i32
      %rem3A_68 = arith.constant 20 : i32
      %rem3A_69 = arith.remsi %rem3A_67, %rem3A_68 : i32
      %rem3A_70 = arith.constant 2 : i32
      %rem3A_71 = arith.remsi %div3A_66, %rem3A_70 : i32
      %dma_start3A_72 = arith.constant 1 : i32
      %dma_start3A_73 = arith.constant 1 : i32
      %dma_start3A_74 = arith.constant 0 : i32
      %dma_start3A_75 = arith.constant 0 : i32
      %dma_start3A_76 = tpu.memref_slice %arg8[%dma_start3A_72, %dma_start3A_74, %dma_start3A_75] : memref<2x128x128xf32, #tpu.memory_space<vmem>> -> memref<1x128x128xf32, #tpu.memory_space<vmem>>
      %dma_start3A_77 = tpu.memref_squeeze %dma_start3A_76 : memref<1x128x128xf32, #tpu.memory_space<vmem>> -> memref<128x128xf32, #tpu.memory_space<vmem>>
      %dma_start3A_78 = arith.constant 0 : i32
      %dma_start3A_79 = tpu.memref_slice %arg7[%rem3A_71, %rem3A_69, %dma_start3A_78] : memref<2x40x128xi32, #tpu.memory_space<vmem>> -> memref<1x1x128xi32, #tpu.memory_space<vmem>>
      %dma_start3A_80 = tpu.memref_squeeze %dma_start3A_79 : memref<1x1x128xi32, #tpu.memory_space<vmem>> -> memref<128xi32, #tpu.memory_space<vmem>>
      %dma_start3A_81 = arith.constant 0 : i32
      %dma_start3A_82 = arith.constant 0 : i32
      %dma_start3A_83 = tpu.memref_slice %arg4[%dma_start3A_81, %dma_start3A_82] : memref<10112x128xf32, #tpu.memory_space<hbm>> -> memref<10112x128xf32, #tpu.memory_space<hbm>>
      %dma_start3A_84 = tpu.memref_slice %arg10[%dma_start3A_73] : memref<2x!tpu.dma_semaphore, #tpu.memory_space<semaphore_mem>> -> memref<1x!tpu.dma_semaphore, #tpu.memory_space<semaphore_mem>>
      %dma_start3A_85 = tpu.memref_squeeze %dma_start3A_84 : memref<1x!tpu.dma_semaphore, #tpu.memory_space<semaphore_mem>> -> memref<!tpu.dma_semaphore, #tpu.memory_space<semaphore_mem>>
      tpu.enqueue_indirect_dma source(%dma_start3A_83 : memref<10112x128xf32, #tpu.memory_space<hbm>>) target(%dma_start3A_77 : memref<128x128xf32, #tpu.memory_space<vmem>>) offsets(%dma_start3A_80 : memref<128xi32, #tpu.memory_space<vmem>>) semaphore(%dma_start3A_85 : memref<!tpu.dma_semaphore, #tpu.memory_space<semaphore_mem>>)
      %scan3A = arith.constant 0 : i32
      %scan3A_86 = arith.constant 0 : i32
      %scan3A_87 = arith.constant 160 : i32
      %scan3A_88 = arith.addi %scan3A_86, %scan3A_87 : i32
      %scan3A_89 = arith.constant 1 : i32
      scf.for %scan3A_91 = %scan3A_86 to %scan3A_88 step %scan3A_89  : i32 {
        %rem3A_92 = arith.constant 2 : i32
        %rem3A_93 = arith.remsi %scan3A_91, %rem3A_92 : i32
        %div3A_94 = arith.constant 20 : i32
        %div3A_95 = arith.divsi %scan3A_91, %div3A_94 : i32
        %rem3A_96 = arith.constant 20 : i32
        %rem3A_97 = arith.remsi %scan3A_91, %rem3A_96 : i32
        %div3A_98 = arith.constant 20 : i32
        %div3A_99 = arith.divsi %scan3A_91, %div3A_98 : i32
        %rem3A_100 = arith.constant 20 : i32
        %rem3A_101 = arith.remsi %scan3A_91, %rem3A_100 : i32
        %rem3A_102 = arith.constant 2 : i32
        %rem3A_103 = arith.remsi %div3A_99, %rem3A_102 : i32
        %dma_wait3A = arith.constant 0 : i32
        %dma_wait3A_104 = arith.constant 0 : i32
        %dma_wait3A_105 = tpu.memref_slice %arg8[%rem3A_93, %dma_wait3A, %dma_wait3A_104] : memref<2x128x128xf32, #tpu.memory_space<vmem>> -> memref<1x128x128xf32, #tpu.memory_space<vmem>>
        %dma_wait3A_106 = tpu.memref_squeeze %dma_wait3A_105 : memref<1x128x128xf32, #tpu.memory_space<vmem>> -> memref<128x128xf32, #tpu.memory_space<vmem>>
        %dma_wait3A_107 = arith.constant 0 : i32
        %dma_wait3A_108 = tpu.memref_slice %arg7[%rem3A_103, %rem3A_101, %dma_wait3A_107] : memref<2x40x128xi32, #tpu.memory_space<vmem>> -> memref<1x1x128xi32, #tpu.memory_space<vmem>>
        %dma_wait3A_109 = tpu.memref_squeeze %dma_wait3A_108 : memref<1x1x128xi32, #tpu.memory_space<vmem>> -> memref<128xi32, #tpu.memory_space<vmem>>
        %dma_wait3A_110 = arith.constant 0 : i32
        %dma_wait3A_111 = arith.constant 0 : i32
        %dma_wait3A_112 = tpu.memref_slice %arg4[%dma_wait3A_110, %dma_wait3A_111] : memref<10112x128xf32, #tpu.memory_space<hbm>> -> memref<10112x128xf32, #tpu.memory_space<hbm>>
        %dma_wait3A_113 = tpu.memref_slice %arg10[%rem3A_93] : memref<2x!tpu.dma_semaphore, #tpu.memory_space<semaphore_mem>> -> memref<1x!tpu.dma_semaphore, #tpu.memory_space<semaphore_mem>>
        %dma_wait3A_114 = tpu.memref_squeeze %dma_wait3A_113 : memref<1x!tpu.dma_semaphore, #tpu.memory_space<semaphore_mem>> -> memref<!tpu.dma_semaphore, #tpu.memory_space<semaphore_mem>>
        tpu.wait_indirect_dma semaphore(%dma_wait3A_114 : memref<!tpu.dma_semaphore, #tpu.memory_space<semaphore_mem>>) src(%dma_wait3A_112 : memref<10112x128xf32, #tpu.memory_space<hbm>>) dst(%dma_wait3A_106 : memref<128x128xf32, #tpu.memory_space<vmem>>)
        %rem3A_115 = arith.constant 2 : i32
        %rem3A_116 = arith.remsi %div3A_95, %rem3A_115 : i32
        %add3A = arith.constant 20 : i32
        %add3A_117 = arith.addi %add3A, %rem3A_97 : i32
        "tpu.region"() ({
          %run_scoped3A_143 = tpu.sem_alloc : memref<!tpu.dma_semaphore, #tpu.memory_space<semaphore_mem>>
          %dma_start3A_144 = arith.constant 0 : i32
          %dma_start3A_145 = arith.constant 0 : i32
          %dma_start3A_146 = tpu.memref_slice %arg8[%rem3A_93, %dma_start3A_144, %dma_start3A_145] : memref<2x128x128xf32, #tpu.memory_space<vmem>> -> memref<1x128x128xf32, #tpu.memory_space<vmem>>
          %dma_start3A_147 = tpu.memref_squeeze %dma_start3A_146 : memref<1x128x128xf32, #tpu.memory_space<vmem>> -> memref<128x128xf32, #tpu.memory_space<vmem>>
          %dma_start3A_148 = arith.constant 0 : i32
          %dma_start3A_149 = tpu.memref_slice %arg7[%rem3A_116, %add3A_117, %dma_start3A_148] : memref<2x40x128xi32, #tpu.memory_space<vmem>> -> memref<1x1x128xi32, #tpu.memory_space<vmem>>
          %dma_start3A_150 = tpu.memref_squeeze %dma_start3A_149 : memref<1x1x128xi32, #tpu.memory_space<vmem>> -> memref<128xi32, #tpu.memory_space<vmem>>
          %dma_start3A_151 = arith.constant 0 : i32
          %dma_start3A_152 = arith.constant 0 : i32
          %dma_start3A_153 = tpu.memref_slice %arg9[%dma_start3A_151, %dma_start3A_152] : memref<10112x128xf32, #tpu.memory_space<vmem_shared>> -> memref<10112x128xf32, #tpu.memory_space<vmem_shared>>
          tpu.enqueue_indirect_dma source(%dma_start3A_147 : memref<128x128xf32, #tpu.memory_space<vmem>>) target(%dma_start3A_153 : memref<10112x128xf32, #tpu.memory_space<vmem_shared>>) offsets(%dma_start3A_150 : memref<128xi32, #tpu.memory_space<vmem>>) semaphore(%run_scoped3A_143 : memref<!tpu.dma_semaphore, #tpu.memory_space<semaphore_mem>>) {add = true}
          %dma_wait3A_154 = arith.constant 0 : i32
          %dma_wait3A_155 = arith.constant 0 : i32
          %dma_wait3A_156 = tpu.memref_slice %arg8[%rem3A_93, %dma_wait3A_154, %dma_wait3A_155] : memref<2x128x128xf32, #tpu.memory_space<vmem>> -> memref<1x128x128xf32, #tpu.memory_space<vmem>>
          %dma_wait3A_157 = tpu.memref_squeeze %dma_wait3A_156 : memref<1x128x128xf32, #tpu.memory_space<vmem>> -> memref<128x128xf32, #tpu.memory_space<vmem>>
          %dma_wait3A_158 = arith.constant 0 : i32
          %dma_wait3A_159 = tpu.memref_slice %arg7[%rem3A_116, %add3A_117, %dma_wait3A_158] : memref<2x40x128xi32, #tpu.memory_space<vmem>> -> memref<1x1x128xi32, #tpu.memory_space<vmem>>
          %dma_wait3A_160 = tpu.memref_squeeze %dma_wait3A_159 : memref<1x1x128xi32, #tpu.memory_space<vmem>> -> memref<128xi32, #tpu.memory_space<vmem>>
          %dma_wait3A_161 = arith.constant 0 : i32
          %dma_wait3A_162 = arith.constant 0 : i32
          %dma_wait3A_163 = tpu.memref_slice %arg9[%dma_wait3A_161, %dma_wait3A_162] : memref<10112x128xf32, #tpu.memory_space<vmem_shared>> -> memref<10112x128xf32, #tpu.memory_space<vmem_shared>>
          tpu.wait_indirect_dma semaphore(%run_scoped3A_143 : memref<!tpu.dma_semaphore, #tpu.memory_space<semaphore_mem>>) src(%dma_wait3A_157 : memref<128x128xf32, #tpu.memory_space<vmem>>) dst(%dma_wait3A_163 : memref<10112x128xf32, #tpu.memory_space<vmem_shared>>)
          tpu.yield
        }) : () -> ()
        %eq3A_118 = arith.constant 19 : i32
        %eq3A_119 = arith.cmpi eq, %rem3A_97, %eq3A_118 : i32
        %add3A_120 = arith.constant 2 : i32
        %add3A_121 = arith.addi %div3A_95, %add3A_120 : i32
        %lt3A = arith.constant 8 : i32
        %lt3A_122 = arith.cmpi slt, %add3A_121, %lt3A : i32
        %and3A = arith.andi %eq3A_119, %lt3A_122 : i1
        %convert_element_type3A_123 = arith.extui %and3A : i1 to i32
        %cond3A_124 = arith.constant 0 : i32
        %cond3A_125 = arith.cmpi ne, %convert_element_type3A_123, %cond3A_124 : i32
        scf.if %cond3A_125 {
          %add3A_143 = arith.constant 2 : i32
          %add3A_144 = arith.addi %div3A_95, %add3A_143 : i32
          %rem3A_145 = arith.constant 2 : i32
          %rem3A_146 = arith.remsi %add3A_144, %rem3A_145 : i32
          %rem3A_147 = arith.constant 2 : i32
          %rem3A_148 = arith.remsi %add3A_144, %rem3A_147 : i32
          %dma_start3A_149 = arith.constant 0 : i32
          %dma_start3A_150 = arith.constant 0 : i32
          %dma_start3A_151 = tpu.memref_slice %arg7[%rem3A_146, %dma_start3A_149, %dma_start3A_150] : memref<2x40x128xi32, #tpu.memory_space<vmem>> -> memref<1x40x128xi32, #tpu.memory_space<vmem>>
          %dma_start3A_152 = tpu.memref_squeeze %dma_start3A_151 : memref<1x40x128xi32, #tpu.memory_space<vmem>> -> memref<40x128xi32, #tpu.memory_space<vmem>>
          %dma_start3A_153 = arith.constant 0 : i32
          %dma_start3A_154 = arith.constant 0 : i32
          %dma_start3A_155 = tpu.memref_slice %arg2[%arg1, %add3A_144, %dma_start3A_153, %dma_start3A_154] : memref<16x8x40x128xi32, #tpu.memory_space<hbm>> -> memref<1x1x40x128xi32, #tpu.memory_space<hbm>>
          %dma_start3A_156 = tpu.memref_squeeze %dma_start3A_155 : memref<1x1x40x128xi32, #tpu.memory_space<hbm>> -> memref<40x128xi32, #tpu.memory_space<hbm>>
          %dma_start3A_157 = tpu.memref_slice %arg11[%rem3A_148] : memref<2x!tpu.dma_semaphore, #tpu.memory_space<semaphore_mem>> -> memref<1x!tpu.dma_semaphore, #tpu.memory_space<semaphore_mem>>
          %dma_start3A_158 = tpu.memref_squeeze %dma_start3A_157 : memref<1x!tpu.dma_semaphore, #tpu.memory_space<semaphore_mem>> -> memref<!tpu.dma_semaphore, #tpu.memory_space<semaphore_mem>>
          %dma_start3A_159 = arith.constant 0 : i32
          %dma_start3A_160 = arith.constant 0 : i32
          %dma_start3A_161 = tpu.memref_slice %arg7[%rem3A_146, %dma_start3A_159, %dma_start3A_160] : memref<2x40x128xi32, #tpu.memory_space<vmem>> -> memref<1x40x128xi32, #tpu.memory_space<vmem>>
          %dma_start3A_162 = tpu.memref_squeeze %dma_start3A_161 : memref<1x40x128xi32, #tpu.memory_space<vmem>> -> memref<40x128xi32, #tpu.memory_space<vmem>>
          %dma_start3A_163 = arith.constant 0 : i32
          %dma_start3A_164 = arith.constant 0 : i32
          %dma_start3A_165 = tpu.memref_slice %arg2[%arg1, %add3A_144, %dma_start3A_163, %dma_start3A_164] : memref<16x8x40x128xi32, #tpu.memory_space<hbm>> -> memref<1x1x40x128xi32, #tpu.memory_space<hbm>>
          %dma_start3A_166 = tpu.memref_squeeze %dma_start3A_165 : memref<1x1x40x128xi32, #tpu.memory_space<hbm>> -> memref<40x128xi32, #tpu.memory_space<hbm>>
          tpu.enqueue_dma source(%dma_start3A_166 : memref<40x128xi32, #tpu.memory_space<hbm>>) target(%dma_start3A_162 : memref<40x128xi32, #tpu.memory_space<vmem>>) target_semaphore(%dma_start3A_158 : memref<!tpu.dma_semaphore, #tpu.memory_space<semaphore_mem>>)
        } else {
        }
        %eq3A_126 = arith.constant 18 : i32
        %eq3A_127 = arith.cmpi eq, %rem3A_97, %eq3A_126 : i32
        %add3A_128 = arith.constant 1 : i32
        %add3A_129 = arith.addi %div3A_95, %add3A_128 : i32
        %lt3A_130 = arith.constant 8 : i32
        %lt3A_131 = arith.cmpi slt, %add3A_129, %lt3A_130 : i32
        %and3A_132 = arith.andi %eq3A_127, %lt3A_131 : i1
        %convert_element_type3A_133 = arith.extui %and3A_132 : i1 to i32
        %cond3A_134 = arith.constant 0 : i32
        %cond3A_135 = arith.cmpi ne, %convert_element_type3A_133, %cond3A_134 : i32
        scf.if %cond3A_135 {
          %add3A_143 = arith.constant 1 : i32
          %add3A_144 = arith.addi %div3A_95, %add3A_143 : i32
          %rem3A_145 = arith.constant 2 : i32
          %rem3A_146 = arith.remsi %add3A_144, %rem3A_145 : i32
          %rem3A_147 = arith.constant 2 : i32
          %rem3A_148 = arith.remsi %add3A_144, %rem3A_147 : i32
          %dma_wait3A_149 = arith.constant 0 : i32
          %dma_wait3A_150 = arith.constant 0 : i32
          %dma_wait3A_151 = tpu.memref_slice %arg7[%rem3A_146, %dma_wait3A_149, %dma_wait3A_150] : memref<2x40x128xi32, #tpu.memory_space<vmem>> -> memref<1x40x128xi32, #tpu.memory_space<vmem>>
          %dma_wait3A_152 = tpu.memref_squeeze %dma_wait3A_151 : memref<1x40x128xi32, #tpu.memory_space<vmem>> -> memref<40x128xi32, #tpu.memory_space<vmem>>
          %dma_wait3A_153 = arith.constant 0 : i32
          %dma_wait3A_154 = arith.constant 0 : i32
          %dma_wait3A_155 = tpu.memref_slice %arg2[%arg1, %add3A_144, %dma_wait3A_153, %dma_wait3A_154] : memref<16x8x40x128xi32, #tpu.memory_space<hbm>> -> memref<1x1x40x128xi32, #tpu.memory_space<hbm>>
          %dma_wait3A_156 = tpu.memref_squeeze %dma_wait3A_155 : memref<1x1x40x128xi32, #tpu.memory_space<hbm>> -> memref<40x128xi32, #tpu.memory_space<hbm>>
          %dma_wait3A_157 = tpu.memref_slice %arg11[%rem3A_148] : memref<2x!tpu.dma_semaphore, #tpu.memory_space<semaphore_mem>> -> memref<1x!tpu.dma_semaphore, #tpu.memory_space<semaphore_mem>>
          %dma_wait3A_158 = tpu.memref_squeeze %dma_wait3A_157 : memref<1x!tpu.dma_semaphore, #tpu.memory_space<semaphore_mem>> -> memref<!tpu.dma_semaphore, #tpu.memory_space<semaphore_mem>>
          %dma_wait3A_159 = arith.constant 0 : i32
          %dma_wait3A_160 = arith.constant 0 : i32
          %dma_wait3A_161 = tpu.memref_slice %arg7[%rem3A_146, %dma_wait3A_159, %dma_wait3A_160] : memref<2x40x128xi32, #tpu.memory_space<vmem>> -> memref<1x40x128xi32, #tpu.memory_space<vmem>>
          %dma_wait3A_162 = tpu.memref_squeeze %dma_wait3A_161 : memref<1x40x128xi32, #tpu.memory_space<vmem>> -> memref<40x128xi32, #tpu.memory_space<vmem>>
          %dma_wait3A_163 = arith.constant 0 : i32
          %dma_wait3A_164 = arith.constant 0 : i32
          %dma_wait3A_165 = tpu.memref_slice %arg2[%arg1, %add3A_144, %dma_wait3A_163, %dma_wait3A_164] : memref<16x8x40x128xi32, #tpu.memory_space<hbm>> -> memref<1x1x40x128xi32, #tpu.memory_space<hbm>>
          %dma_wait3A_166 = tpu.memref_squeeze %dma_wait3A_165 : memref<1x1x40x128xi32, #tpu.memory_space<hbm>> -> memref<40x128xi32, #tpu.memory_space<hbm>>
          tpu.wait_dma2 semaphore(%dma_wait3A_158 : memref<!tpu.dma_semaphore, #tpu.memory_space<semaphore_mem>>) src(%dma_wait3A_166 : memref<40x128xi32, #tpu.memory_space<hbm>>) dst(%dma_wait3A_162 : memref<40x128xi32, #tpu.memory_space<vmem>>)
        } else {
        }
        %add3A_136 = arith.constant 2 : i32
        %add3A_137 = arith.addi %scan3A_91, %add3A_136 : i32
        %lt3A_138 = arith.constant 160 : i32
        %lt3A_139 = arith.cmpi slt, %add3A_137, %lt3A_138 : i32
        %convert_element_type3A_140 = arith.extui %lt3A_139 : i1 to i32
        %cond3A_141 = arith.constant 0 : i32
        %cond3A_142 = arith.cmpi ne, %convert_element_type3A_140, %cond3A_141 : i32
        scf.if %cond3A_142 {
          %add3A_143 = arith.constant 2 : i32
          %add3A_144 = arith.addi %scan3A_91, %add3A_143 : i32
          %div3A_145 = arith.constant 20 : i32
          %div3A_146 = arith.divsi %add3A_144, %div3A_145 : i32
          %rem3A_147 = arith.constant 20 : i32
          %rem3A_148 = arith.remsi %add3A_144, %rem3A_147 : i32
          %rem3A_149 = arith.constant 2 : i32
          %rem3A_150 = arith.remsi %div3A_146, %rem3A_149 : i32
          %dma_start3A_151 = arith.constant 0 : i32
          %dma_start3A_152 = arith.constant 0 : i32
          %dma_start3A_153 = tpu.memref_slice %arg8[%rem3A_93, %dma_start3A_151, %dma_start3A_152] : memref<2x128x128xf32, #tpu.memory_space<vmem>> -> memref<1x128x128xf32, #tpu.memory_space<vmem>>
          %dma_start3A_154 = tpu.memref_squeeze %dma_start3A_153 : memref<1x128x128xf32, #tpu.memory_space<vmem>> -> memref<128x128xf32, #tpu.memory_space<vmem>>
          %dma_start3A_155 = arith.constant 0 : i32
          %dma_start3A_156 = tpu.memref_slice %arg7[%rem3A_150, %rem3A_148, %dma_start3A_155] : memref<2x40x128xi32, #tpu.memory_space<vmem>> -> memref<1x1x128xi32, #tpu.memory_space<vmem>>
          %dma_start3A_157 = tpu.memref_squeeze %dma_start3A_156 : memref<1x1x128xi32, #tpu.memory_space<vmem>> -> memref<128xi32, #tpu.memory_space<vmem>>
          %dma_start3A_158 = arith.constant 0 : i32
          %dma_start3A_159 = arith.constant 0 : i32
          %dma_start3A_160 = tpu.memref_slice %arg4[%dma_start3A_158, %dma_start3A_159] : memref<10112x128xf32, #tpu.memory_space<hbm>> -> memref<10112x128xf32, #tpu.memory_space<hbm>>
          %dma_start3A_161 = tpu.memref_slice %arg10[%rem3A_93] : memref<2x!tpu.dma_semaphore, #tpu.memory_space<semaphore_mem>> -> memref<1x!tpu.dma_semaphore, #tpu.memory_space<semaphore_mem>>
          %dma_start3A_162 = tpu.memref_squeeze %dma_start3A_161 : memref<1x!tpu.dma_semaphore, #tpu.memory_space<semaphore_mem>> -> memref<!tpu.dma_semaphore, #tpu.memory_space<semaphore_mem>>
          tpu.enqueue_indirect_dma source(%dma_start3A_160 : memref<10112x128xf32, #tpu.memory_space<hbm>>) target(%dma_start3A_154 : memref<128x128xf32, #tpu.memory_space<vmem>>) offsets(%dma_start3A_157 : memref<128xi32, #tpu.memory_space<vmem>>) semaphore(%dma_start3A_162 : memref<!tpu.dma_semaphore, #tpu.memory_space<semaphore_mem>>)
        } else {
        }
      }
      %scan3A_90 = arith.constant 160 : i32
    } else {
    }
    %barrier3A_8 = arith.constant 0 : index
    tpu.barrier barrier_id(%barrier3A_8)
    %eq3A_9 = arith.constant 0 : i32
    %eq3A_10 = arith.cmpi eq, %arg0, %eq3A_9 : i32
    %convert_element_type3A_11 = arith.extui %eq3A_10 : i1 to i32
    %cond3A_12 = arith.constant 0 : i32
    %cond3A_13 = arith.cmpi ne, %convert_element_type3A_11, %cond3A_12 : i32
    scf.if %cond3A_13 {
      %mul3A_19 = arith.constant 632 : i32
      %mul3A_20 = arith.muli %arg1, %mul3A_19 : i32
      %mul3A_21 = arith.constant 632 : i32
      %mul3A_22 = arith.muli %arg1, %mul3A_21 : i32
      %run_scoped3A = arith.constant 0 : i32
      "tpu.region"() ({
        %run_scoped3A_23 = tpu.sem_alloc : memref<!tpu.dma_semaphore, #tpu.memory_space<semaphore_mem>>
        %dma_start3A = arith.constant 0 : i32
        %dma_start3A_24 = tpu.memref_slice %arg6[%run_scoped3A, %mul3A_22, %dma_start3A] : memref<2x10112x128xf32, #tpu.memory_space<hbm>> -> memref<1x632x128xf32, #tpu.memory_space<hbm>>
        %dma_start3A_25 = tpu.memref_squeeze %dma_start3A_24 : memref<1x632x128xf32, #tpu.memory_space<hbm>> -> memref<632x128xf32, #tpu.memory_space<hbm>>
        %dma_start3A_26 = arith.constant 0 : i32
        %dma_start3A_27 = tpu.memref_slice %arg9[%mul3A_20, %dma_start3A_26] : memref<10112x128xf32, #tpu.memory_space<vmem_shared>> -> memref<632x128xf32, #tpu.memory_space<vmem_shared>>
        tpu.enqueue_dma source(%dma_start3A_27 : memref<632x128xf32, #tpu.memory_space<vmem_shared>>) target(%dma_start3A_25 : memref<632x128xf32, #tpu.memory_space<hbm>>) target_semaphore(%run_scoped3A_23 : memref<!tpu.dma_semaphore, #tpu.memory_space<semaphore_mem>>)
        %dma_wait3A = arith.constant 0 : i32
        %dma_wait3A_28 = tpu.memref_slice %arg6[%run_scoped3A, %mul3A_22, %dma_wait3A] : memref<2x10112x128xf32, #tpu.memory_space<hbm>> -> memref<1x632x128xf32, #tpu.memory_space<hbm>>
        %dma_wait3A_29 = tpu.memref_squeeze %dma_wait3A_28 : memref<1x632x128xf32, #tpu.memory_space<hbm>> -> memref<632x128xf32, #tpu.memory_space<hbm>>
        %dma_wait3A_30 = arith.constant 0 : i32
        %dma_wait3A_31 = tpu.memref_slice %arg9[%mul3A_20, %dma_wait3A_30] : memref<10112x128xf32, #tpu.memory_space<vmem_shared>> -> memref<632x128xf32, #tpu.memory_space<vmem_shared>>
        tpu.wait_dma2 semaphore(%run_scoped3A_23 : memref<!tpu.dma_semaphore, #tpu.memory_space<semaphore_mem>>) src(%dma_wait3A_31 : memref<632x128xf32, #tpu.memory_space<vmem_shared>>) dst(%dma_wait3A_29 : memref<632x128xf32, #tpu.memory_space<hbm>>)
        tpu.yield
      }) : () -> ()
    } else {
    }
    %eq3A_14 = arith.constant 1 : i32
    %eq3A_15 = arith.cmpi eq, %arg0, %eq3A_14 : i32
    %convert_element_type3A_16 = arith.extui %eq3A_15 : i1 to i32
    %cond3A_17 = arith.constant 0 : i32
    %cond3A_18 = arith.cmpi ne, %convert_element_type3A_16, %cond3A_17 : i32
    scf.if %cond3A_18 {
      %mul3A_19 = arith.constant 632 : i32
      %mul3A_20 = arith.muli %arg1, %mul3A_19 : i32
      %mul3A_21 = arith.constant 632 : i32
      %mul3A_22 = arith.muli %arg1, %mul3A_21 : i32
      %run_scoped3A = arith.constant 1 : i32
      "tpu.region"() ({
        %run_scoped3A_23 = tpu.sem_alloc : memref<!tpu.dma_semaphore, #tpu.memory_space<semaphore_mem>>
        %dma_start3A = arith.constant 0 : i32
        %dma_start3A_24 = tpu.memref_slice %arg6[%run_scoped3A, %mul3A_22, %dma_start3A] : memref<2x10112x128xf32, #tpu.memory_space<hbm>> -> memref<1x632x128xf32, #tpu.memory_space<hbm>>
        %dma_start3A_25 = tpu.memref_squeeze %dma_start3A_24 : memref<1x632x128xf32, #tpu.memory_space<hbm>> -> memref<632x128xf32, #tpu.memory_space<hbm>>
        %dma_start3A_26 = arith.constant 0 : i32
        %dma_start3A_27 = tpu.memref_slice %arg9[%mul3A_20, %dma_start3A_26] : memref<10112x128xf32, #tpu.memory_space<vmem_shared>> -> memref<632x128xf32, #tpu.memory_space<vmem_shared>>
        tpu.enqueue_dma source(%dma_start3A_27 : memref<632x128xf32, #tpu.memory_space<vmem_shared>>) target(%dma_start3A_25 : memref<632x128xf32, #tpu.memory_space<hbm>>) target_semaphore(%run_scoped3A_23 : memref<!tpu.dma_semaphore, #tpu.memory_space<semaphore_mem>>)
        %dma_wait3A = arith.constant 0 : i32
        %dma_wait3A_28 = tpu.memref_slice %arg6[%run_scoped3A, %mul3A_22, %dma_wait3A] : memref<2x10112x128xf32, #tpu.memory_space<hbm>> -> memref<1x632x128xf32, #tpu.memory_space<hbm>>
        %dma_wait3A_29 = tpu.memref_squeeze %dma_wait3A_28 : memref<1x632x128xf32, #tpu.memory_space<hbm>> -> memref<632x128xf32, #tpu.memory_space<hbm>>
        %dma_wait3A_30 = arith.constant 0 : i32
        %dma_wait3A_31 = tpu.memref_slice %arg9[%mul3A_20, %dma_wait3A_30] : memref<10112x128xf32, #tpu.memory_space<vmem_shared>> -> memref<632x128xf32, #tpu.memory_space<vmem_shared>>
        tpu.wait_dma2 semaphore(%run_scoped3A_23 : memref<!tpu.dma_semaphore, #tpu.memory_space<semaphore_mem>>) src(%dma_wait3A_31 : memref<632x128xf32, #tpu.memory_space<vmem_shared>>) dst(%dma_wait3A_29 : memref<632x128xf32, #tpu.memory_space<hbm>>)
        tpu.yield
      }) : () -> ()
    } else {
    }
    return
  }
}

module attributes {stable_mosaic.version = 14 : i64} {
  func.func @_prep_body(%arg0: memref<10112x128xf32, #tpu.memory_space<vmem>>, %arg1: memref<10112x128xf32, #tpu.memory_space<vmem>>, %arg2: memref<10112x128xf32, #tpu.memory_space<vmem>>) attributes {dimension_semantics = [], scalar_prefetch = 0 : i64, scratch_operands = 0 : i64, tpu.core_type = #tpu.core_type<tc>} {
    %get3A = arith.constant 0 : index
    %get3A_0 = arith.constant 0 : index
    %get3A_1 = vector.load %arg0[%get3A, %get3A_0] : memref<10112x128xf32, #tpu.memory_space<vmem>>, vector<10112x128xf32>
    %max3A = arith.constant 0.000000e+00 : f32
    %max3A_2 = vector.broadcast %max3A : f32 to vector<10112x128xf32>
    %max3A_3 = arith.maximumf %get3A_1, %max3A_2 : vector<10112x128xf32>
    %add3A = arith.constant 1.000000e-07 : f32
    %add3A_4 = vector.broadcast %add3A : f32 to vector<10112x128xf32>
    %add3A_5 = arith.addf %max3A_3, %add3A_4 : vector<10112x128xf32>
    %exp3A = math.exp %add3A_5 : vector<10112x128xf32>
    %swap3A = arith.constant 0 : index
    %swap3A_6 = arith.constant 0 : index
    %swap3A_7 = vector.load %arg1[%swap3A, %swap3A_6] : memref<10112x128xf32, #tpu.memory_space<vmem>>, vector<10112x128xf32>
    tpu.vector_store %arg1[%swap3A, %swap3A_6], %exp3A {strides = array<i32>} : memref<10112x128xf32, #tpu.memory_space<vmem>>, vector<10112x128xf32>,
    %mul3A = arith.mulf %add3A_5, %exp3A : vector<10112x128xf32>
    %swap3A_8 = arith.constant 0 : index
    %swap3A_9 = arith.constant 0 : index
    %swap3A_10 = vector.load %arg2[%swap3A_8, %swap3A_9] : memref<10112x128xf32, #tpu.memory_space<vmem>>, vector<10112x128xf32>
    tpu.vector_store %arg2[%swap3A_8, %swap3A_9], %mul3A {strides = array<i32>} : memref<10112x128xf32, #tpu.memory_space<vmem>>, vector<10112x128xf32>,
    return
  }
}

module attributes {stable_mosaic.version = 14 : i64} {
  func.func @_final_body(%arg0: memref<10000x128xf32, #tpu.memory_space<vmem>>, %arg1: memref<2x10112x128xf32, #tpu.memory_space<vmem>>, %arg2: memref<128x128xf32, #tpu.memory_space<vmem>>, %arg3: memref<1x128xf32, #tpu.memory_space<vmem>>, %arg4: memref<128x128xf32, #tpu.memory_space<vmem>>, %arg5: memref<1x128xf32, #tpu.memory_space<vmem>>, %arg6: memref<128x128xf32, #tpu.memory_space<vmem>>, %arg7: memref<1x128xf32, #tpu.memory_space<vmem>>, %arg8: memref<128x128xf32, #tpu.memory_space<vmem>>, %arg9: memref<1x128xf32, #tpu.memory_space<vmem>>, %arg10: memref<1x128xf32, #tpu.memory_space<vmem>>) attributes {dimension_semantics = [], scalar_prefetch = 0 : i64, scratch_operands = 0 : i64, tpu.core_type = #tpu.core_type<tc>} {
    %get3A = arith.constant 0 : index
    %get3A_0 = arith.constant 0 : index
    %get3A_1 = arith.constant 0 : index
    %get3A_2 = vector.load %arg1[%get3A, %get3A_0, %get3A_1] : memref<2x10112x128xf32, #tpu.memory_space<vmem>>, vector<1x10000x128xf32>
    %get3A_3 = vector.shape_cast %get3A_2 : vector<1x10000x128xf32> to vector<10000x128xf32>
    %get3A_4 = arith.constant 1 : index
    %get3A_5 = arith.constant 0 : index
    %get3A_6 = arith.constant 0 : index
    %get3A_7 = vector.load %arg1[%get3A_4, %get3A_5, %get3A_6] : memref<2x10112x128xf32, #tpu.memory_space<vmem>>, vector<1x10000x128xf32>
    %get3A_8 = vector.shape_cast %get3A_7 : vector<1x10000x128xf32> to vector<10000x128xf32>
    %gt3A = arith.constant 0.000000e+00 : f32
    %gt3A_9 = vector.broadcast %gt3A : f32 to vector<10000x128xf32>
    %gt3A_10 = arith.cmpf ogt, %get3A_3, %gt3A_9 : vector<10000x128xf32>
    %jit3A = arith.constant 0.000000e+00 : f32
    %broadcast_in_dim3A = vector.broadcast %jit3A : f32 to vector<10000x128xf32>
    %select_n3A = arith.select %gt3A_10, %get3A_8, %broadcast_in_dim3A : vector<10000x128xi1>, vector<10000x128xf32>
    %gt3A_11 = arith.constant 0.000000e+00 : f32
    %gt3A_12 = vector.broadcast %gt3A_11 : f32 to vector<10000x128xf32>
    %gt3A_13 = arith.cmpf ogt, %get3A_3, %gt3A_12 : vector<10000x128xf32>
    %jit3A_14 = arith.constant 1.000000e+00 : f32
    %broadcast_in_dim3A_15 = vector.broadcast %jit3A_14 : f32 to vector<10000x128xf32>
    %select_n3A_16 = arith.select %gt3A_13, %get3A_3, %broadcast_in_dim3A_15 : vector<10000x128xi1>, vector<10000x128xf32>
    %div3A = arith.divf %select_n3A, %select_n3A_16 : vector<10000x128xf32>
    %reduce_sum3A = arith.constant dense<0.000000e+00> : vector<128xf32>
    %reduce_sum3A_17 = vector.multi_reduction <add>, %div3A, %reduce_sum3A [0] : vector<10000x128xf32> to vector<128xf32>
    %broadcast_in_dim3A_18 = vector.shape_cast %reduce_sum3A_17 : vector<128xf32> to vector<1x128xf32>
    %mul3A = arith.constant 9.99999974E-5 : f32
    %mul3A_19 = vector.broadcast %mul3A : f32 to vector<1x128xf32>
    %mul3A_20 = arith.mulf %broadcast_in_dim3A_18, %mul3A_19 : vector<1x128xf32>
    %get3A_21 = arith.constant 0 : index
    %get3A_22 = arith.constant 0 : index
    %get3A_23 = vector.load %arg0[%get3A_21, %get3A_22] : memref<10000x128xf32, #tpu.memory_space<vmem>>, vector<10000x128xf32>
    %reduce_sum3A_24 = arith.constant dense<0.000000e+00> : vector<128xf32>
    %reduce_sum3A_25 = vector.multi_reduction <add>, %get3A_23, %reduce_sum3A_24 [0] : vector<10000x128xf32> to vector<128xf32>
    %broadcast_in_dim3A_26 = vector.shape_cast %reduce_sum3A_25 : vector<128xf32> to vector<1x128xf32>
    %mul3A_27 = arith.constant 9.99999974E-5 : f32
    %mul3A_28 = vector.broadcast %mul3A_27 : f32 to vector<1x128xf32>
    %mul3A_29 = arith.mulf %broadcast_in_dim3A_26, %mul3A_28 : vector<1x128xf32>
    %get3A_30 = arith.constant 0 : index
    %get3A_31 = arith.constant 0 : index
    %get3A_32 = vector.load %arg2[%get3A_30, %get3A_31] : memref<128x128xf32, #tpu.memory_space<vmem>>, vector<128x128xf32>
    %get3A_33 = arith.constant 0 : index
    %get3A_34 = arith.constant 0 : index
    %get3A_35 = vector.load %arg4[%get3A_33, %get3A_34] : memref<128x128xf32, #tpu.memory_space<vmem>>, vector<128x128xf32>
    %add3A = arith.addf %get3A_32, %get3A_35 : vector<128x128xf32>
    %get3A_36 = arith.constant 0 : index
    %get3A_37 = arith.constant 0 : index
    %get3A_38 = vector.load %arg6[%get3A_36, %get3A_37] : memref<128x128xf32, #tpu.memory_space<vmem>>, vector<128x128xf32>
    %add3A_39 = arith.addf %add3A, %get3A_38 : vector<128x128xf32>
    %get3A_40 = arith.constant 0 : index
    %get3A_41 = arith.constant 0 : index
    %get3A_42 = vector.load %arg3[%get3A_40, %get3A_41] : memref<1x128xf32, #tpu.memory_space<vmem>>, vector<1x128xf32>
    %get3A_43 = arith.constant 0 : index
    %get3A_44 = arith.constant 0 : index
    %get3A_45 = vector.load %arg5[%get3A_43, %get3A_44] : memref<1x128xf32, #tpu.memory_space<vmem>>, vector<1x128xf32>
    %add3A_46 = arith.addf %get3A_42, %get3A_45 : vector<1x128xf32>
    %get3A_47 = arith.constant 0 : index
    %get3A_48 = arith.constant 0 : index
    %get3A_49 = vector.load %arg7[%get3A_47, %get3A_48] : memref<1x128xf32, #tpu.memory_space<vmem>>, vector<1x128xf32>
    %add3A_50 = arith.addf %add3A_46, %get3A_49 : vector<1x128xf32>
    %add3A_51 = arith.addf %mul3A_29, %mul3A_20 : vector<1x128xf32>
    %dot_general3A = arith.constant dense<0.000000e+00> : vector<1x128xf32>
    %dot_general3A_52 = tpu.matmul %add3A_51, %add3A_39, %dot_general3A {dimension_numbers = #tpu.dot_dimension_numbers<[1], [0], [0], [1], [0, 0, 1, 1], [], []>, transpose_lhs_hint = false} : vector<1x128xf32>, vector<128x128xf32>, vector<1x128xf32> -> vector<1x128xf32>
    %add3A_53 = arith.addf %mul3A_29, %dot_general3A_52 : vector<1x128xf32>
    %add3A_54 = arith.addf %add3A_53, %add3A_50 : vector<1x128xf32>
    %get3A_55 = arith.constant 0 : index
    %get3A_56 = arith.constant 0 : index
    %get3A_57 = vector.load %arg8[%get3A_55, %get3A_56] : memref<128x128xf32, #tpu.memory_space<vmem>>, vector<128x128xf32>
    %dot_general3A_58 = arith.constant dense<0.000000e+00> : vector<1x128xf32>
    %dot_general3A_59 = tpu.matmul %add3A_54, %get3A_57, %dot_general3A_58 {dimension_numbers = #tpu.dot_dimension_numbers<[1], [0], [0], [1], [0, 0, 1, 1], [], []>, transpose_lhs_hint = false} : vector<1x128xf32>, vector<128x128xf32>, vector<1x128xf32> -> vector<1x128xf32>
    %get3A_60 = arith.constant 0 : index
    %get3A_61 = arith.constant 0 : index
    %get3A_62 = vector.load %arg9[%get3A_60, %get3A_61] : memref<1x128xf32, #tpu.memory_space<vmem>>, vector<1x128xf32>
    %add3A_63 = arith.addf %dot_general3A_59, %get3A_62 : vector<1x128xf32>
    %swap3A = arith.constant 0 : index
    %swap3A_64 = arith.constant 0 : index
    %swap3A_65 = vector.load %arg10[%swap3A, %swap3A_64] : memref<1x128xf32, #tpu.memory_space<vmem>>, vector<1x128xf32>
    tpu.vector_store %arg10[%swap3A, %swap3A_64], %add3A_63 {strides = array<i32>} : memref<1x128xf32, #tpu.memory_space<vmem>>, vector<1x128xf32>,
    return
  }
}

</mosaic_0001>

<sc_bundles>
// kernel: kernel.5.cloned.1.call-start
scs
__scs_entry_jumppad:
0x0: {  	(pc) =	sbr.rel $0x88, $3  }
0x1: {  	(tag) =	ssettag $0x0;
	lr =	simm.s32 $0x1  }
0x2: {  	[smem:$0x3F97] =	sst lr;
	_ =	strace $0xD0000000  }
0x3: {  	_ = 	snop  }
0x4: {  	_ = 	snop  }
0x5: {  	_ = 	snop  }
0x6: {  	_ = 	snop  }
0x7: {  	_ = 	snop  }
__scs_overlays_trampoline_lowered:
0x8: {  	[smem:$0x3FA6] =	sst s0  }
0x9: {  	[smem:$0x3FA7] =	sst s1  }
0xa: {  	[smem:$0x3FA8] =	sst s2  }
0xb: {  	[smem:$0x3FA9] =	sst s3  }
0xc: {  	[smem:$0x3FAA] =	sst s4  }
0xd: {  	[smem:$0x3FAB] =	sst s5  }
0xe: {  	[smem:$0x3FAC] =	sst s6  }
0xf: {  	[smem:$0x3FAD] =	sst s7  }
0x10: {  	[smem:$0x3FAE] =	sst s8  }
0x11: {  	[smem:$0x3FAF] =	sst s9;
	s0 =	simm.s32 @!p0 $0x0  }
0x12: {  	s1 =	sld [smem:$0x3F95];
	s0 =	simm.s32 @p0 $0x1  }
0x13: {  	[smem:$0x3FB0] =	sst s0;
	s0 =	simm.s32 @!p1 $0x0  }
0x14: {  	s2 =	sld [smem:$0x3F94];
	s0 =	simm.s32 @p1 $0x1  }
0x15: {  	[smem:$0x3FB1] =	sst s0;
	s0 =	simm.s32 @!p2 $0x0  }
0x16: {  	s3 =	sld [smem:$0x3FDB];
	s0 =	simm.s32 @p2 $0x1  }
0x17: {  	s4 =	simm.s32 $0x1BF5;
	[smem:$0x3FB3] =	sst s0  }
0x18: {  	s0 =	sld [smem:$0x3F96];
	_ =	swait.ge [sflag:s4], $0x0  }
0x19: {  	s7 =	sld [smem:$0x3F97]  }
0x1a: {  	s8 =	sadd.s32 $0xFFFFE003, lr  }
0x1b: {  	s9 =	sadd.s32 $0xFFFFFEF7, lr;
	s5 =	simm.s32 $0xFFFFFFFF;
	p2 =	slt.u32 s8, $0xFFFFF086  }
0x1c: {  	p1 =	slt.u32 s9, $0xF7A;
	s5 =	simm.s32 @!p2 $0x0  }
0x1d: {  	s5 =	simm.s32 @p1 $0x1;
	p0 =	seq.s32 s7, s2  }
0x1e: {  	s7 =	smul.u32 @!p0 $0xF7A, s2;
	p2 =	seq.s32 @!p0 s5, $0x0  }
0x1f: {  	s9 =	smul.u32 $0xF7A, s1;
	s8 =	simm.s32 @!p0 $0x1BF5;
	p2 =	por !p2, p0  }
0x20: {  	[sflag:s8] =	ssyncset.s32 @!p0 $0xFFFFF086;
	s6 =	sadd.s32 @!p0 s3, s7;
	s7 =	simm.s32 @!p0 $0x108  }
0x21: {  	s3 =	sadd.s32 s3, s9;
	s6 =	sadd.s32 @!p0 $0x88, s6;
	s7 =	simm.s32 @p2 $0x1082  }
0x22: {  	[simem:s7], [sflag:s8] =	dma.local @!p0 [hbm:s6], $0xF7A  }
0x23: {  	s9 =	sor.u32 $0xD0000000, s2;
	s6 =	simm.s32 $0x108;
	_ =	swait.ge @!p0 [sflag:s8], $0x0  }
0x24: {  	s3 =	sadd.s32 $0x88, s3;
	s6 =	simm.s32 @!p1 $0x1082;
	[sflag:s4] =	ssyncset.s32 $0xFFFFF086  }
0x25: {  	[simem:s6], [sflag:s4] =	dma.local [hbm:s3], $0xF7A  }
0x26: {  	[smem:$0x3F97] =	sst s1;
	(tag) =	ssettag s2;
	_ =	strace s9  }
0x27: {  	s1 =	sld [smem:$0x3FA7]  }
0x28: {  	s2 =	sld [smem:$0x3FA8]  }
0x29: {  	s4 =	sld [smem:$0x3FAA]  }
0x2a: {  	p0 =	seq.s32 s5, $0x0;
	s5 =	sld [smem:$0x3FAB]  }
0x2b: {  	s6 =	sld [smem:$0x3FAC]  }
0x2c: {  	s7 =	sld [smem:$0x3FAD]  }
0x2d: {  	s3 =	simm.s32 $0x108;
	s8 =	sld [smem:$0x3FAE]  }
0x2e: {  	s3 =	simm.s32 @!p0 $0x1082;
	s9 =	sld [smem:$0x3FAF]  }
0x2f: {  	lr =	sadd.s32 s0, s3;
	s0 =	sld [smem:$0x3FA6]  }
0x30: {  	s3 =	sld [smem:$0x3FA9]  }
0x31: {  	[smem:$0x3FB2] =	sst s10  }
0x32: {  	s10 =	sld [smem:$0x3FB0];
	_ =	sdelay $0x3  }
0x33: {  	p0 =	seq.s32 s10, $0x1;
	s10 =	sld [smem:$0x3FB2];
	_ =	sdelay $0x3  }
0x34: {  	[smem:$0x3FB2] =	sst s10  }
0x35: {  	s10 =	sld [smem:$0x3FB1];
	_ =	sdelay $0x3  }
0x36: {  	p1 =	seq.s32 s10, $0x1;
	s10 =	sld [smem:$0x3FB2];
	_ =	sdelay $0x3  }
0x37: {  	[smem:$0x3FB2] =	sst s10  }
0x38: {  	s10 =	sld [smem:$0x3FB3]  }
0x39: {  	_ = 	snop;
	(pc) =	sbr.ind lr, $3  }
0x3a: {  	_ = 	snop  }
0x3b: {  	_ = 	snop  }
0x3c: {  	p2 =	seq.s32 s10, $0x1;
	s10 =	sld [smem:$0x3FB2]  }
0x3d: {  	_ =	shalt  }
0x3e: {  	_ =	shalt  }
0x3f: {  	_ =	shalt  }
0x40: {  	_ =	shalt  }
0x41: {  	_ =	shalt  }
0x42: {  	_ =	shalt  }
0x43: {  	_ =	shalt  }
0x44: {  	_ =	shalt  }
0x45: {  	_ =	shalt  }
0x46: {  	_ =	shalt  }
0x47: {  	_ =	shalt  }
0x48: {  	_ =	shalt  }
0x49: {  	_ =	shalt  }
0x4a: {  	_ =	shalt  }
0x4b: {  	_ =	shalt  }
0x4c: {  	_ =	shalt  }
0x4d: {  	_ =	shalt  }
0x4e: {  	_ =	shalt  }
0x4f: {  	_ =	shalt  }
0x50: {  	_ =	shalt  }
0x51: {  	_ =	shalt  }
0x52: {  	_ =	shalt  }
0x53: {  	_ =	shalt  }
0x54: {  	_ =	shalt  }
0x55: {  	_ =	shalt  }
0x56: {  	_ =	shalt  }
0x57: {  	_ =	shalt  }
0x58: {  	_ =	shalt  }
0x59: {  	_ =	shalt  }
0x5a: {  	_ =	shalt  }
0x5b: {  	_ =	shalt  }
0x5c: {  	_ =	shalt  }
0x5d: {  	_ =	shalt  }
0x5e: {  	_ =	shalt  }
0x5f: {  	_ =	shalt  }
0x60: {  	_ =	shalt  }
0x61: {  	_ =	shalt  }
0x62: {  	_ =	shalt  }
0x63: {  	_ =	shalt  }
0x64: {  	_ =	shalt  }
0x65: {  	_ =	shalt  }
0x66: {  	_ =	shalt  }
0x67: {  	_ =	shalt  }
0x68: {  	_ =	shalt  }
0x69: {  	_ =	shalt  }
0x6a: {  	_ =	shalt  }
0x6b: {  	_ =	shalt  }
0x6c: {  	_ =	shalt  }
0x6d: {  	_ =	shalt  }
0x6e: {  	_ =	shalt  }
0x6f: {  	_ =	shalt  }
0x70: {  	_ =	shalt  }
0x71: {  	_ =	shalt  }
0x72: {  	_ =	shalt  }
0x73: {  	_ =	shalt  }
0x74: {  	_ =	shalt  }
0x75: {  	_ =	shalt  }
0x76: {  	_ =	shalt  }
0x77: {  	_ =	shalt  }
0x78: {  	_ =	shalt  }
0x79: {  	_ =	shalt  }
0x7a: {  	_ =	shalt  }
0x7b: {  	_ =	shalt  }
0x7c: {  	_ =	shalt  }
0x7d: {  	_ =	shalt  }
0x7e: {  	_ =	shalt  }
0x7f: {  	_ =	shalt  }
0x80: {  	_ =	shalt  }
0x81: {  	_ =	shalt  }
0x82: {  	_ =	shalt  }
0x83: {  	_ =	shalt  }
0x84: {  	_ =	shalt  }
0x85: {  	_ =	shalt  }
0x86: {  	_ =	shalt  }
0x87: {  	_ =	shalt  }
.Lfunc_end0:
.L_simem_size_0:
called_computation_lowered:
.L_overlay_start_0:
0x88: {  	s2 =	sld [smem:$0x3FD9]  }
0x89: {  	s3 =	sld [smem:$0x3FFE];
	_ =	sdelay $0x1  }
0x8a: {  	s1 =	srdreg.scid  }
0x8b: {  	s0 =	sand.u32 $0x1, s1  }
0x8c: {  	s16 =	sshll.u32 s0, $0xA;
	s2 =	sadd.s32 s3, s2  }
0x8d: {  	s2 =	sadd.s32 s2, s16  }
0x8e: {  	[smem:$0x3FBE] =	sst s2  }
0x8f: {  	_ = 	snop  }
0x90: {  	(tm) =	ssettm $0x1  }
0x91: {  	s17 =	sld [smem:$0x3FFB];
	_ =	sdelay $0x3  }
0x92: {  	_ =	strace s17  }
0x93: {  	s2 =	sld [smem:$0x3FFC];
	_ =	sdelay $0x3  }
0x94: {  	_ =	strace s2  }
0x95: {  	s2 =	sld [smem:$0x3FFD];
	_ =	sdelay $0x3  }
0x96: {  	_ =	strace s2  }
0x97: {  	_ =	strace $0x8FFFFFFF  }
0x98: {  	s18 =	sld [smem:$0x3FDB];
	_ =	sdelay $0x1  }
0x99: {  	s19 =	simm.s32 $_scs_section_size  }
0x9a: {  	s4 =	simm.s32 $_size__tile_overlayer_lowered;
	s5 =	simm.s32 $_tile_overlayer_lowered  }
0x9b: {  	s22 =	simm.s32 $0x1BFF;
	s21 =	sshll.u32 s5, $0x1;
	s2 =	sadd.s32 s19, s18  }
0x9c: {  	s6 =	simm.s32 $0x0;
	s20 =	sshll.u32 s4, $0x1;
	s4 =	sadd.s32 s21, s2  }
0x9d: {  	[timem:s6], [sflag:s22] =	dma.local [hbm:s4], s20  }
0x9e: {  	_ =	swait.ge [sflag:s22], s20  }
0x9f: {  	s3 =	ssub.s32 $0x0, s20;
	[sflag:s22] =	ssyncset.done $0x0  }
0xa0: {  	[sflag:s22] =	ssyncadd.s32 s3;
	_ =	sdelay $0x1  }
0xa1: {  	s23 =	simm.s32 $0x1B8B  }
0xa2: {  	_ =	swait.ge [sflag:s23], $0x1  }
0xa3: {  	[sflag:s23] =	ssyncset.done $0x0  }
0xa4: {  	s25 =	simm.s32 $0x1B8E;
	s24 =	sld [smem:$0x3FFE];
	[sflag:s23] =	ssyncadd.s32 $0xFFFFFFFF  }
0xa5: {  	s26 =	simm.s32 $execute0_lowered;
	[smem:$0x3FD2] =	sst s25  }
0xa6: {  	s4 =	sshll.u32 s26, $0x1;
	_ =	strace $0x80000046;
	[dreg:$0x1] =	wrdreg $0xFFFFFFFF  }
0xa7: {  	s28 =	simm.s32 $_size_execute0_lowered;
	s2 =	sadd.s32 s2, s4;
	[dreg:$0x0] =	wrdreg $0x0  }
0xa8: {  	s4 =	sshll.u32 s28, $0x1;
	[dreg:$0x2] =	wrdreg s2  }
0xa9: {  	[dreg:$0x3] =	wrdreg s4  }
0xaa: {  	[dreg:$0x4] =	wrdreg $0xC0  }
0xab: {  	_ =	task [dreg:s6], $0x5FFFF  }
0xac: {  	[dreg:$0x1] =	wrdreg $0xFFFFFFFF  }
0xad: {  	[dreg:$0x0] =	wrdreg $0x60  }
0xae: {  	[dreg:$0x2] =	wrdreg s24  }
0xaf: {  	[dreg:$0x3] =	wrdreg $0xA8000  }
0xb0: {  	[dreg:$0x4] =	wrdreg $0x9  }
0xb1: {  	_ =	task.clear_ibuf [dreg:s6], $0x5FFFF;
	_ =	strace $0x90000046  }
0xb2: {  	s29 =	simm.s32 $0x9;
	_ =	strace $0x80000048  }
0xb3: {  	_ =	swait.ge [sflag:s29], $0x1  }
0xb4: {  	[sflag:s29] =	ssyncadd.s32 $0xFFFFFFFF  }
0xb5: {  	_ =	strace $0x90000048  }
0xb6: {  	_ =	sfence  }
0xb7: {  	s30 =	sld [smem:$0x0];
	_ =	sdelay $0x2  }
0xb8: {  	s31 =	sshll.u32 s1, $0xD;
	s1 =	sshrl.u32 s1, $0x2  }
0xb9: {  	s3 =	sand.u32 $0x4000, s31;
	s1 =	sadd.s32 s1, s30  }
0xba: {  	s0 =	sor.u32 s3, s0;
	s1 =	sshll.u32 s1, $0x11  }
0xbb: {  	s0 =	sor.u32 s1, s0  }
0xbc: {  	s0 =	sadd.s32 $0x8F2B, s0  }
0xbd: {  	[sflag:s0] =	ssyncadd.remote.s32 $0x1  }
0xbe: {  	_ =	sfence.sel $0xFFFF  }
0xbf: {  	[dreg:$0x0] =	wrdreg $0xFFFFFFFF;
	(pc) =	sbr.abs _section_cstart, $3  }
0xc0: {  	[dreg:$0x1] =	wrdreg $0xFFFFFFFF  }
0xc1: {  	_ =	task.clear_ibuf [dreg:s6], $0x2FFFF;
	_ =	strace $0x9FFFFFFF  }
0xc2: {  	(tm) =	ssettm $0x7FFFFFFF  }
0xc3: {  	_ =	shalt  }
tec
execute0_lowered:
.L_overlay_start_1:
0x0: {  	(tag) =	ssettag $0x1  }
0x1: {  	s8 =	rddreg [dreg:$0x0]  }
0x2: {  	s1 =	rddreg [dreg:$0x1]  }
0x3: {  	s0 =	rddreg [dreg:$0x2];
	s2 =	simm.s32 $0x0;
	s5 =	srdreg.scid  }
0x4: {  	s3 =	stileid.u32;
	s18 =	simm.s32 $0x1400;
	s19 =	simm.s32 $0x80  }
0x5: {  	s20 =	simm.s32 $0x2800;
	s21 =	simm.s32 $0x6800;
	s22 =	simm.s32 $0x0  }
0x6: {  	[smem:$0x7FF] =	sst s2;
	s4 =	sadd.s32 $0x50C00, s8;
	s10 =	smul.u32 $0x4F000, s3  }
0x7: {  	s16 =	sand.u32 $0x1, s5;
	s5 =	sadd.s32 $0x29400, s8;
	s12 =	smul.u32 $0xA000, s3  }
0x8: {  	s6 =	sadd.s32 $0x1C00, s8;
	s7 =	sadd.s32 $0x64C00, s8;
	s13 =	smul.u32 $0x13C00, s3  }
0x9: {  	s8 =	sadd.s32 $0x67400, s8;
	s31 =	sshll.u32 s3, $0x6;
	s14 =	smul.u32 $0x2780, s3  }
0xa: {  	_ =	strace $0x80000047;
	s9 =	ssub.s32 $0x2, s16;
	p0 =	sne.s32 s16, $0x0  }
.Ltmp0:
0xb: {  	s11 =	sshrl.u32 s9, $0x1;
	s29 =	sshrl.u32 s10, $0x2;
	(pc) =	sbr.rel .LBB2_1-.Ltmp0, $4  }
0xc: {  	s30 =	sshrl.u32 s12, $0x3;
	s10 =	sor.u32 $0x1C05, s31;
	s13 =	sshrl.u32 s13, $0x3  }
0xd: {  	s12 =	sadd.s32 $0x2800, s12;
	s15 =	ssub.s32 s9, s11;
	s9 =	sadd.s32 s4, s30  }
0xe: {  	s17 =	sadd.s32 s29, s1;
	s13 =	sadd.s32 $0x27800, s13;
	s11 =	sadd.s32 $0x280, s9  }
0xf: {  	s15 =	smax.u32 s15, $0x1;
	s16 =	sshrl.u32 s17, $0x3;
	s17 =	simm.s32 $0x5  }
.LBB2_19:
0x10: {  	s23 =	smov.u32 s13  }
.LBB2_20:
0x11: {  	s22 =	sadd.s32 $0x1, s22  }
0x12: {  	p1 =	sne.s32 s22, s15  }
.Ltmp1:
0x13: {  	s23 =	sadd.s32 s8, s23;
	[bflag:$0x0] =	sbarrier.arrive $0xFFFF;
	(pc) =	sbr.rel @!p1 .LBB2_21-.Ltmp1, $4  }
0x14: {  	[hbm:s23], [sflag:s10] =	dma.local [spmem:s16], $0x2780  }
0x15: {  	_ =	swait.ge [sflag:s17], $0x2780  }
0x16: {  	[sflag:s17] =	ssyncset.done $0x0  }
0x17: {  	[sflag:s17] =	ssyncadd.s32 $0xFFFFD880  }
.LBB2_1:
0x18: {  	[spmem:s16], [sflag:s10] =	dma.local [hbm:s7], $0x2780  }
0x19: {  	_ =	swait.ge [sflag:s17], $0x2780  }
0x1a: {  	[sflag:s17] =	ssyncset.done $0x0  }
0x1b: {  	[sflag:s17] =	ssyncadd.s32 $0xFFFFD880  }
0x1c: {  	[bflag:$0x0] =	sbarrier.arrive $0xFFFF  }
0x1d: {  	[tilespmem:s2], [sflag:$0x5] =	stream.linear.gather [hbm4b:s9+s2], $0x1400, $0x38;
	[tilespmem:$0x1E400] =	vst v63  }
.Ltmp2:
0x1e: {  	_ = 	snop;
	(pc) =	sbr.rel @p0 .LBB2_11-.Ltmp2, $4  }
0x1f: {  	_ =	swait.ge [sflag:s17], $0x1400  }
0x20: {  	[sflag:s17] =	ssyncset.done $0x0  }
0x21: {  	s23 =	simm.s32 $0x0;
	[sflag:s17] =	ssyncadd.s32 $0xFFFFEC00  }
0x22: {  	[tilespmem:s18], [sflag:$0x4] =	stream.linear.gather [hbm4b:s11+s2], $0x1400, $0x38;
	[tilespmem:$0x1E400] =	vst v63  }
0x23: {  	[tilespmem:s20], [sflag:$0x1] =	stream.indirect.gather [hbm4b:s5+s19], $0x80, s23, s19, $0xb8;
	[tilespmem:$0x1E400] =	vst v63  }
0x24: {  	_ = 	snop  }
0x25: {  	[tilespmem:s21], [sflag:$0x2] =	stream.indirect.gather [hbm4b:s5+s19], $0x80, s19, s19, $0xb8;
	[tilespmem:$0x1E400] =	vst v63  }
.LBB2_3:
0x26: {  	s24 =	smul.u32 $0xCD, s23;
	_ =	sdelay $0x1  }
0x27: {  	s24 =	sshrl.u32 s24, $0xC  }
0x28: {  	s26 =	sand.u32 $0xF, s24  }
0x29: {  	s25 =	smul.u32 $0x14, s26  }
0x2a: {  	s31 =	sand.u32 $0x1, s23;
	s30 =	sand.u32 $0x1, s24  }
0x2b: {  	s24 =	sadd.s32 $0x1, s31;
	p1 =	seq.s32 s30, $0x1;
	s28 =	ssub.s32 s23, s25  }
0x2c: {  	s30 =	simm.s32 $0x1400;
	_ =	swait.ge [sflag:s24], $0x4000;
	s29 =	sand.u32 $0xFF, s28  }
0x2d: {  	s30 =	simm.s32 @!p1 $0x0;
	[sflag:s24] =	ssyncset.done $0x0;
	s29 =	sshll.u32 s29, $0x7  }
0x2e: {  	p1 =	sgt.u32 s23, $0x77;
	s25 =	sshll.u32 s31, $0xE;
	s29 =	sadd.s32 s29, s30  }
0x2f: {  	[sflag:s24] =	ssyncadd.s32 $0xFFFFC000;
	s25 =	sor.u32 $0x2800, s25;
	s29 =	sadd.s32 $0xA00, s29  }
0x30: {  	[spmem:s1] =	stream.indirect.scatter.add.f32 [tilespmem:s25], [sflag:$0x5], $0x80, s29, s19, $0xb8;
	[tilespmem:$0x1E400] =	vst v63  }
0x31: {  	s29 =	sand.u32 @!p1 $0xFF, s28  }
0x32: {  	p2 =	sne.s32 @!p1 s29, $0x13  }
0x33: {  	p1 =	por p1, p2  }
.Ltmp3:
0x34: {  	_ = 	snop;
	(pc) =	sbr.rel @p1 .LBB2_5-.Ltmp3, $4  }
0x35: {  	_ = 	snop  }
0x36: {  	_ =	swait.ge [sflag:s17], $0x4000  }
0x37: {  	[sflag:s17] =	ssyncset.done $0x0  }
0x38: {  	[sflag:s17] =	ssyncadd.s32 $0xFFFFC000  }
0x39: {  	s28 =	smul.u32 $0x1400, s26  }
.Ltmp4:
0x3a: {  	s31 =	sand.u32 $0x1, s26;
	(pc) =	sbr.rel .LBB2_8-.Ltmp4, $4  }
0x3b: {  	s29 =	smul.u32 $0x5000, s31;
	s28 =	sadd.s32 s28, s12  }
0x3c: {  	s28 =	sshrl.u32 s28, $0x3  }
0x3d: {  	s26 =	sadd.s32 $0x3, s31;
	s29 =	sshrl.u32 s29, $0x2;
	s28 =	sadd.s32 s4, s28  }
0x3e: {  	[tilespmem:s29], [sflag:s26] =	stream.linear.gather [hbm4b:s28+s2], $0x1400, $0x38;
	[tilespmem:$0x1E400] =	vst v63  }
.LBB2_5:
0x3f: {  	p1 =	sgt.u32 s23, $0x8B  }
0x40: {  	s28 =	sand.u32 @!p1 $0xFF, s28  }
0x41: {  	p2 =	sne.s32 @!p1 s28, $0x12  }
0x42: {  	p1 =	por p1, p2  }
.Ltmp5:
0x43: {  	_ = 	snop;
	(pc) =	sbr.rel @p1 .LBB2_7-.Ltmp5, $1  }
0x44: {  	_ =	sdelay $0x3  }
0x45: {  	s26 =	sxor.u32 $0xFFFFFFFF, s26  }
0x46: {  	s26 =	sand.u32 $0x1, s26  }
0x47: {  	s26 =	sadd.s32 $0x3, s26  }
0x48: {  	_ =	swait.ge [sflag:s26], $0x1400  }
0x49: {  	[sflag:s26] =	ssyncset.done $0x0  }
0x4a: {  	[sflag:s26] =	ssyncadd.s32 $0xFFFFEC00  }
.LBB2_8:
0x4b: {  	s26 =	sadd.s32 $0x2, s23  }
0x4c: {  	s28 =	sand.u32 $0xFF, s26  }
0x4d: {  	s28 =	smul.u32 $0xCD, s28;
	_ =	sdelay $0x1  }
0x4e: {  	s28 =	sshrl.u32 s28, $0xC  }
0x4f: {  	s29 =	smul.u32 $0x14, s28;
	_ =	sdelay $0x1  }
0x50: {  	s28 =	sand.u32 $0x1, s28;
	s26 =	ssub.s32 s26, s29  }
0x51: {  	p1 =	seq.s32 s28, $0x1;
	s28 =	simm.s32 $0x1400;
	s26 =	sand.u32 $0xFF, s26  }
0x52: {  	s28 =	simm.s32 @!p1 $0x0;
	s26 =	sshll.u32 s26, $0x7  }
0x53: {  	s26 =	sadd.s32 s26, s28  }
0x54: {  	[tilespmem:s25], [sflag:s24] =	stream.indirect.gather [hbm4b:s5+s19], $0x80, s26, s19, $0xb8;
	[tilespmem:$0x1E400] =	vst v63  }
.LBB2_9:
0x55: {  	s23 =	sadd.s32 $0x1, s23  }
0x56: {  	p1 =	seq.s32 s23, $0xA0  }
.Ltmp6:
0x57: {  	_ = 	snop;
	(pc) =	sbr.rel @!p1 .LBB2_3-.Ltmp6, $4  }
.Ltmp7:
0x58: {  	_ = 	snop;
	(pc) =	sbr.rel @p1 .LBB2_10-.Ltmp7, $4  }
0x59: {  	_ = 	snop  }
0x5a: {  	_ = 	snop  }
0x5b: {  	_ = 	snop  }
0x5c: {  	_ = 	snop  }
.LBB2_7:
0x5d: {  	p1 =	sgt.u32 s23, $0x9D  }
.Ltmp8:
0x5e: {  	_ = 	snop;
	(pc) =	sbr.rel @p1 .LBB2_9-.Ltmp8, $4  }
.Ltmp9:
0x5f: {  	_ = 	snop;
	(pc) =	sbr.rel @!p1 .LBB2_8-.Ltmp9, $4  }
0x60: {  	_ = 	snop  }
0x61: {  	_ = 	snop  }
0x62: {  	_ = 	snop  }
0x63: {  	_ = 	snop  }
.LBB2_11:
0x64: {  	[tilespmem:s20], [sflag:$0x1] =	stream.indirect.gather [hbm4b:s6+s19], $0x80, s23, s19, $0xb8;
	[tilespmem:$0x1E400] =	vst v63  }
0x65: {  	_ = 	snop  }
0x66: {  	[tilespmem:s21], [sflag:$0x2] =	stream.indirect.gather [hbm4b:s6+s19], $0x80, s19, s19, $0xb8;
	[tilespmem:$0x1E400] =	vst v63  }
.LBB2_12:
0x67: {  	s24 =	smul.u32 $0xCD, s23;
	_ =	sdelay $0x1  }
0x68: {  	s24 =	sshrl.u32 s24, $0xC  }
0x69: {  	s26 =	sand.u32 $0xF, s24  }
0x6a: {  	s25 =	smul.u32 $0x14, s26  }
0x6b: {  	s31 =	sand.u32 $0x1, s23;
	s30 =	sand.u32 $0x1, s24  }
0x6c: {  	s24 =	sadd.s32 $0x1, s31;
	p1 =	seq.s32 s30, $0x1;
	s28 =	ssub.s32 s23, s25  }
0x6d: {  	s30 =	simm.s32 $0x1400;
	_ =	swait.ge [sflag:s24], $0x4000;
	s29 =	sand.u32 $0xFF, s28  }
0x6e: {  	s30 =	simm.s32 @!p1 $0x0;
	[sflag:s24] =	ssyncset.done $0x0;
	s29 =	sshll.u32 s29, $0x7  }
0x6f: {  	p1 =	sgt.u32 s23, $0x77;
	s25 =	sshll.u32 s31, $0xE;
	s29 =	sadd.s32 s29, s30  }
0x70: {  	[sflag:s24] =	ssyncadd.s32 $0xFFFFC000;
	s25 =	sor.u32 $0x2800, s25;
	s29 =	sadd.s32 $0xA00, s29  }
0x71: {  	[spmem:s1] =	stream.indirect.scatter.add.f32 [tilespmem:s25], [sflag:$0x5], $0x80, s29, s19, $0xb8;
	[tilespmem:$0x1E400] =	vst v63  }
0x72: {  	s29 =	sand.u32 @!p1 $0xFF, s28  }
0x73: {  	p2 =	sne.s32 @!p1 s29, $0x13  }
0x74: {  	p1 =	por p1, p2  }
.Ltmp10:
0x75: {  	_ = 	snop;
	(pc) =	sbr.rel @p1 .LBB2_14-.Ltmp10, $4  }
0x76: {  	_ = 	snop  }
0x77: {  	_ =	swait.ge [sflag:s17], $0x4000  }
0x78: {  	[sflag:s17] =	ssyncset.done $0x0  }
0x79: {  	[sflag:s17] =	ssyncadd.s32 $0xFFFFC000  }
0x7a: {  	s28 =	smul.u32 $0x1400, s26  }
.Ltmp11:
0x7b: {  	s31 =	sand.u32 $0x1, s26;
	(pc) =	sbr.rel .LBB2_17-.Ltmp11, $4  }
0x7c: {  	s29 =	smul.u32 $0x5000, s31;
	s28 =	sadd.s32 s28, s12  }
0x7d: {  	s28 =	sshrl.u32 s28, $0x3  }
0x7e: {  	s26 =	sadd.s32 $0x3, s31;
	s29 =	sshrl.u32 s29, $0x2;
	s28 =	sadd.s32 s4, s28  }
0x7f: {  	[tilespmem:s29], [sflag:s26] =	stream.linear.gather [hbm4b:s28+s2], $0x1400, $0x38;
	[tilespmem:$0x1E400] =	vst v63  }
.LBB2_14:
0x80: {  	p1 =	sgt.u32 s23, $0x8B  }
0x81: {  	s28 =	sand.u32 @!p1 $0xFF, s28  }
0x82: {  	p2 =	sne.s32 @!p1 s28, $0x12  }
0x83: {  	p1 =	por p1, p2  }
.Ltmp12:
0x84: {  	_ = 	snop;
	(pc) =	sbr.rel @p1 .LBB2_16-.Ltmp12, $1  }
0x85: {  	_ =	sdelay $0x3  }
0x86: {  	s26 =	sxor.u32 $0xFFFFFFFF, s26  }
0x87: {  	s26 =	sand.u32 $0x1, s26  }
0x88: {  	s26 =	sadd.s32 $0x3, s26  }
0x89: {  	_ =	swait.ge [sflag:s26], $0x1400  }
0x8a: {  	[sflag:s26] =	ssyncset.done $0x0  }
0x8b: {  	[sflag:s26] =	ssyncadd.s32 $0xFFFFEC00  }
.LBB2_17:
0x8c: {  	s26 =	sadd.s32 $0x2, s23  }
0x8d: {  	s28 =	sand.u32 $0xFF, s26  }
0x8e: {  	s28 =	smul.u32 $0xCD, s28;
	_ =	sdelay $0x1  }
0x8f: {  	s28 =	sshrl.u32 s28, $0xC  }
0x90: {  	s29 =	smul.u32 $0x14, s28;
	_ =	sdelay $0x1  }
0x91: {  	s28 =	sand.u32 $0x1, s28;
	s26 =	ssub.s32 s26, s29  }
0x92: {  	p1 =	seq.s32 s28, $0x1;
	s28 =	simm.s32 $0x1400;
	s26 =	sand.u32 $0xFF, s26  }
0x93: {  	s28 =	simm.s32 @!p1 $0x0;
	s26 =	sshll.u32 s26, $0x7  }
0x94: {  	s26 =	sadd.s32 s26, s28  }
0x95: {  	[tilespmem:s25], [sflag:s24] =	stream.indirect.gather [hbm4b:s6+s19], $0x80, s26, s19, $0xb8;
	[tilespmem:$0x1E400] =	vst v63  }
.LBB2_18:
0x96: {  	s23 =	sadd.s32 $0x1, s23  }
0x97: {  	p1 =	sne.s32 s23, $0xA0  }
.Ltmp13:
0x98: {  	_ = 	snop;
	(pc) =	sbr.rel @p1 .LBB2_12-.Ltmp13, $4  }
.Ltmp14:
0x99: {  	_ = 	snop;
	(pc) =	sbr.rel @!p1 .LBB2_19-.Ltmp14, $4  }
0x9a: {  	_ = 	snop  }
0x9b: {  	_ = 	snop  }
0x9c: {  	_ = 	snop  }
0x9d: {  	_ = 	snop  }
.LBB2_16:
0x9e: {  	p1 =	sgt.u32 s23, $0x9D  }
.Ltmp15:
0x9f: {  	_ = 	snop;
	(pc) =	sbr.rel @p1 .LBB2_18-.Ltmp15, $4  }
.Ltmp16:
0xa0: {  	_ = 	snop;
	(pc) =	sbr.rel @!p1 .LBB2_17-.Ltmp16, $4  }
0xa1: {  	_ = 	snop  }
0xa2: {  	_ = 	snop  }
0xa3: {  	_ = 	snop  }
0xa4: {  	_ = 	snop  }
.LBB2_10:
.Ltmp17:
0xa5: {  	(pc) =	sbr.rel .LBB2_20-.Ltmp17, $2  }
0xa6: {  	_ =	sdelay $0x2  }
0xa7: {  	s23 =	smov.u32 s14  }
.LBB2_21:
0xa8: {  	_ =	sfence.sel $0x180000  }
0xa9: {  	[bflag:$0x0] =	sbarrier.arrive $0xFFFF  }
0xaa: {  	p0 =	sne.s32 s3, $0x0;
	_ =	strace $0x90000047  }
0xab: {  	s0 =	sadd.s32 @!p0 $0x100000, s0;
	[bflag:$0x2] =	sbarrier.arrive $0xFFFF  }
0xac: {  	[sflag:s0] =	ssyncadd.tile.s32 @!p0 $0x1;
	_ =	shalt  }
.Lfunc_end2:
_tile_overlayer_lowered:
.L_overlay_start_2:
0xad: {  	(tag) =	ssettag $0x2  }
0xae: {  	s0 =	rddreg [dreg:$0x0];
	s2 =	stileid.u32  }
0xaf: {  	s1 =	rddreg [dreg:$0x1];
	p0 =	sne.s32 s2, $0x0  }
0xb0: {  	s3 =	rddreg [dreg:$0x2];
	[bflag:$0x3] =	sbarrier.arrive $0xFFFF;
	s2 =	simm.s32 @!p0 $0x1C05  }
0xb1: {  	[timem:s3], [sflag:s2] =	dma.local @!p0 [hbm:s0], s1  }
0xb2: {  	s0 =	simm.s32 @!p0 $0x5  }
0xb3: {  	_ =	swait.ge @!p0 [sflag:s0], s1  }
0xb4: {  	s1 =	ssub.s32 @!p0 $0x0, s1;
	[sflag:s0] =	ssyncset.done @!p0 $0x0  }
0xb5: {  	[sflag:s0] =	ssyncadd.s32 @!p0 s1  }
0xb6: {  	[bflag:$0x3] =	sbarrier.arrive $0xFFFF  }
0xb7: {  	_ =	shalt  }

</sc_bundles>
